<compile_context>
chip_gen: v7x
topology: tpu7x:2x2x1
jax: 0.10.2.dev20260603
libtpu: 0.0.44.dev20260713+nightly
codegen_flags: <defaults>
</compile_context>

<pallas_src>
import functools

import jax
import jax.numpy as jnp
from jax import lax
from jax.experimental import pallas as pl
from jax.experimental.pallas import tpu as pltpu
from jax.experimental.pallas import tpu_sc as plsc



_D1 = 6.2797307080712255
_D2 = -41.13626070861352
_D3 = 78.32711789390086
_D4 = -57.116174482917664


def _sin_turns(u):
    uf = u - jnp.floor(u + 0.5)
    u2 = uf * uf
    return uf * (_D1 + u2 * (_D2 + u2 * (_D3 + u2 * _D4)))


def _enc_body(xt_ref, w_ref, o_ref):
    u = lax.dot_general(xt_ref[...], w_ref[...],
                        dimension_numbers=(((0,), (0,)), ((), ())),
                        preferred_element_type=jnp.float32)
    o_ref[...] = _sin_turns(u)


def _spa_encode(xt3, w3, rb):
    rows = xt3.shape[1]
    grid = rows // rb
    return pl.pallas_call(
        _enc_body,
        grid=(grid,),
        in_specs=[
            pl.BlockSpec((3, rb), lambda i: (0, i)),
            pl.BlockSpec((3, 128), lambda i: (0, 0)),
        ],
        out_specs=pl.BlockSpec((rb, 128), lambda i: (i, 0)),
        out_shape=jax.ShapeDtypeStruct((rows, 128), jnp.float32),
    )(xt3, w3)



def _make_time_encode(B, F, V, D):
    info = plsc.get_sparse_core_info()
    NC, NS, L = info.num_cores, info.num_subcores, info.num_lanes
    NW = NC * NS
    bpw = B // NW
    mesh = plsc.VectorSubcoreMesh(core_axis_name="c", subcore_axis_name="s")

    @functools.partial(
        pl.kernel,
        mesh=mesh,
        out_type=jax.ShapeDtypeStruct((B, D), jnp.float32),
        scratch_types=[
            pltpu.VMEM((F, bpw), jnp.int32),
            pltpu.VMEM((F, bpw), jnp.int32),
            pltpu.VMEM((F * bpw, D), jnp.float32),
            pltpu.VMEM((bpw, D), jnp.float32),
            pltpu.SemaphoreType.DMA,
        ],
    )
    def k(t_hbm, table_hbm, out_hbm, t_v, idx_v, rows_v, out_v, sem):
        wid = lax.axis_index("s") * NC + lax.axis_index("c")
        base = wid * bpw
        for c in range(F):
            pltpu.sync_copy(t_hbm.at[pl.ds(c * B + base, bpw)], t_v.at[c])
        for c in range(F):
            for j in range(bpw // L):
                sl = pl.ds(j * L, L)
                idx_v[c, sl] = t_v[c, sl] * F + c
        copies = [
            pltpu.async_copy(
                table_hbm.at[idx_v.at[c]],
                rows_v.at[pl.ds(c * bpw, bpw)],
                sem,
            )
            for c in range(F)
        ]
        for cp in copies:
            cp.wait()

        def row_body(r, carry):
            for ch in range(D // L):
                sl = pl.ds(ch * L, L)
                acc = rows_v[r, sl]
                for c in range(1, F):
                    acc = acc + rows_v[c * bpw + r, sl]
                out_v[r, sl] = acc
            return carry

        lax.fori_loop(0, bpw, row_body, 0, unroll=4)
        pltpu.sync_copy(out_v, out_hbm.at[pl.ds(base, bpw)])

    return k



def kernel(x, t, W_spa, embed_matrix):
    B, Lseq, C = x.shape
    F, V, D = embed_matrix.shape
    half = W_spa.shape[1]

    xt = x.astype(jnp.float32).transpose(2, 1, 0).reshape(C, Lseq * B)
    ones = jnp.ones((1, Lseq * B), jnp.float32)
    xt3 = jnp.concatenate([xt, ones], axis=0)
    inv_2pi = 0.15915494309189535
    wd = jnp.concatenate([W_spa.astype(jnp.float32) * inv_2pi] * 2, axis=1)
    s2 = jnp.concatenate([jnp.zeros((1, half), jnp.float32),
                          jnp.full((1, half), 0.25, jnp.float32)], axis=1)
    w3 = jnp.concatenate([wd, s2], axis=0)
    enc = _spa_encode(xt3, w3, rb=20480)
    x_enc = enc.reshape(Lseq, B, 2 * half).transpose(1, 0, 2)

    t_flat = t.astype(jnp.int32).transpose(1, 0).reshape(F * B)
    table = embed_matrix.astype(jnp.float32).transpose(1, 0, 2).reshape(V * F, D)
    t_enc = _make_time_encode(B, F, V, D)(t_flat, table)
    return (x_enc, t_enc[:, None, :])

# --- scband reference (transcript-rebuilt; emitter-appended) ---
"""Pipeline reference for scband-pos-encoder-24730421690452 (READ-ONLY COPY).

The authoritative reference and input builder live on the scoring server;
editing this copy changes nothing except your own understanding.
"""

import jax, jax.numpy as jnp
import numpy as np

B = 4096
L = 50
SPA_IN = 2
TEMP_IN = 4
EMBED = 128
MAX_LEN = 31

def setup_inputs(seed: int = 0) -> dict:
    key = jax.random.key(seed)
    k1, k2, k3, k4 = jax.random.split(key, 4)
    x = jax.random.normal(k1, (B, L, SPA_IN), dtype=jnp.float32)
    t = jax.random.randint(k2, (B, TEMP_IN), 0, MAX_LEN, dtype=jnp.int64)
    # SpaEncoder linear: nn.Linear(spa_input_size, embed_size // 2, bias=False)
    # torch weight shape [embed//2, spa_in]; store as [spa_in, embed//2] for x @ W
    W_spa = jax.random.normal(k3, (SPA_IN, EMBED // 2), dtype=jnp.float32) * 0.5
    # TimeEncoder discrete embedding matrix: [temp_input_size, max_len, embed_size]
    embed_matrix = jax.random.normal(k4, (TEMP_IN, MAX_LEN, EMBED), dtype=jnp.float32)
    return {"x": x, "t": t, "W_spa": W_spa, "embed_matrix": embed_matrix}

def reference(x, t, W_spa, embed_matrix):
    # SpaEncoder: cat(sin(Wx), cos(Wx))
    h = x.astype(jnp.float32) @ W_spa  # [B, L, EMBED//2]
    x_enc = jnp.concatenate([jnp.sin(h), jnp.cos(h)], axis=-1)  # [B, L, EMBED]
    # TimeEncoder (discrete): for each temporal feature i, gather
    # embed_matrix[i, t[..., i], :] then sum over features -> [B, EMBED]
    t_idx = t.astype(jnp.int32)
    feat_idx = jnp.arange(embed_matrix.shape[0])[None, :]  # [1, TEMP_IN]
    gathered = embed_matrix[feat_idx, t_idx, :]  # [B, TEMP_IN, EMBED]
    t_enc = gathered.sum(axis=-2)  # [B, EMBED]
    return (x_enc, t_enc[:, None, :])

if __name__ == "__main__":
    import jax
    _d = setup_inputs()
    print(jax.jit(kernel)(*tuple(_d.values())))

</pallas_src>

<mosaic_0001>
#map = affine_map<(d0, d1) -> (0)>
#map1 = affine_map<(d0, d1) -> (0, 0)>
module attributes {stable_mosaic.version = 14 : i64} {
  func.func @k(%arg0: i32, %arg1: i32, %arg2: memref<16384xi32, #tpu.memory_space<hbm>>, %arg3: memref<124x128xf32, #tpu.memory_space<hbm>>, %arg4: memref<4096x128xf32, #tpu.memory_space<hbm>>, %arg5: memref<4x128xi32, #tpu.memory_space<vmem>>, %arg6: memref<4x128xi32, #tpu.memory_space<vmem>>, %arg7: memref<512x128xf32, #tpu.memory_space<vmem>>, %arg8: memref<128x128xf32, #tpu.memory_space<vmem>>, %arg9: memref<!tpu.dma_semaphore, #tpu.memory_space<semaphore_mem>>) attributes {dimension_semantics = [#tpu.dimension_semantics<core_parallel>, #tpu.dimension_semantics<subcore_parallel>], iteration_bounds = array<i64: 2, 16>, scalar_prefetch = 0 : i64, scratch_operands = 5 : i64, tpu.core_type = #tpu.core_type<sc_vector_subcore>, window_params = [{transform_indices = #map}, {transform_indices = #map1}, {transform_indices = #map1}]} {
    %mul3A = arith.constant 2 : i32
    %mul3A_0 = arith.muli %arg1, %mul3A : i32
    %add3A = arith.addi %mul3A_0, %arg0 : i32
    %mul3A_1 = arith.constant 128 : i32
    %mul3A_2 = arith.muli %add3A, %mul3A_1 : i32
    %add3A_3 = arith.constant 0 : i32
    %add3A_4 = arith.addi %add3A_3, %mul3A_2 : i32
    %run_scoped3A = arith.constant 0 : i32
    "tpu.region"() ({
      %run_scoped3A_639 = tpu.sem_alloc : memref<!tpu.dma_semaphore, #tpu.memory_space<semaphore_mem>>
      %dma_start3A_640 = arith.constant 0 : i32
      %dma_start3A_641 = tpu.memref_slice %arg5[%run_scoped3A, %dma_start3A_640] : memref<4x128xi32, #tpu.memory_space<vmem>> -> memref<1x128xi32, #tpu.memory_space<vmem>>
      %dma_start3A_642 = tpu.memref_squeeze %dma_start3A_641 : memref<1x128xi32, #tpu.memory_space<vmem>> -> memref<128xi32, #tpu.memory_space<vmem>>
      %dma_start3A_643 = tpu.memref_slice %arg2[%add3A_4] : memref<16384xi32, #tpu.memory_space<hbm>> -> memref<128xi32, #tpu.memory_space<hbm>>
      %dma_start3A_644 = arith.constant 0 : i32
      %dma_start3A_645 = tpu.memref_slice %arg5[%run_scoped3A, %dma_start3A_644] : memref<4x128xi32, #tpu.memory_space<vmem>> -> memref<1x128xi32, #tpu.memory_space<vmem>>
      %dma_start3A_646 = tpu.memref_squeeze %dma_start3A_645 : memref<1x128xi32, #tpu.memory_space<vmem>> -> memref<128xi32, #tpu.memory_space<vmem>>
      %dma_start3A_647 = tpu.memref_slice %arg2[%add3A_4] : memref<16384xi32, #tpu.memory_space<hbm>> -> memref<128xi32, #tpu.memory_space<hbm>>
      tpu.enqueue_dma source(%dma_start3A_647 : memref<128xi32, #tpu.memory_space<hbm>>) target(%dma_start3A_646 : memref<128xi32, #tpu.memory_space<vmem>>) target_semaphore(%run_scoped3A_639 : memref<!tpu.dma_semaphore, #tpu.memory_space<semaphore_mem>>)
      %dma_wait3A_648 = arith.constant 0 : i32
      %dma_wait3A_649 = tpu.memref_slice %arg5[%run_scoped3A, %dma_wait3A_648] : memref<4x128xi32, #tpu.memory_space<vmem>> -> memref<1x128xi32, #tpu.memory_space<vmem>>
      %dma_wait3A_650 = tpu.memref_squeeze %dma_wait3A_649 : memref<1x128xi32, #tpu.memory_space<vmem>> -> memref<128xi32, #tpu.memory_space<vmem>>
      %dma_wait3A_651 = tpu.memref_slice %arg2[%add3A_4] : memref<16384xi32, #tpu.memory_space<hbm>> -> memref<128xi32, #tpu.memory_space<hbm>>
      %dma_wait3A_652 = arith.constant 0 : i32
      %dma_wait3A_653 = tpu.memref_slice %arg5[%run_scoped3A, %dma_wait3A_652] : memref<4x128xi32, #tpu.memory_space<vmem>> -> memref<1x128xi32, #tpu.memory_space<vmem>>
      %dma_wait3A_654 = tpu.memref_squeeze %dma_wait3A_653 : memref<1x128xi32, #tpu.memory_space<vmem>> -> memref<128xi32, #tpu.memory_space<vmem>>
      %dma_wait3A_655 = tpu.memref_slice %arg2[%add3A_4] : memref<16384xi32, #tpu.memory_space<hbm>> -> memref<128xi32, #tpu.memory_space<hbm>>
      tpu.wait_dma2 semaphore(%run_scoped3A_639 : memref<!tpu.dma_semaphore, #tpu.memory_space<semaphore_mem>>) src(%dma_wait3A_655 : memref<128xi32, #tpu.memory_space<hbm>>) dst(%dma_wait3A_654 : memref<128xi32, #tpu.memory_space<vmem>>)
      tpu.yield
    }) : () -> ()
    %add3A_5 = arith.constant 4096 : i32
    %add3A_6 = arith.addi %add3A_5, %mul3A_2 : i32
    %run_scoped3A_7 = arith.constant 1 : i32
    "tpu.region"() ({
      %run_scoped3A_639 = tpu.sem_alloc : memref<!tpu.dma_semaphore, #tpu.memory_space<semaphore_mem>>
      %dma_start3A_640 = arith.constant 0 : i32
      %dma_start3A_641 = tpu.memref_slice %arg5[%run_scoped3A_7, %dma_start3A_640] : memref<4x128xi32, #tpu.memory_space<vmem>> -> memref<1x128xi32, #tpu.memory_space<vmem>>
      %dma_start3A_642 = tpu.memref_squeeze %dma_start3A_641 : memref<1x128xi32, #tpu.memory_space<vmem>> -> memref<128xi32, #tpu.memory_space<vmem>>
      %dma_start3A_643 = tpu.memref_slice %arg2[%add3A_6] : memref<16384xi32, #tpu.memory_space<hbm>> -> memref<128xi32, #tpu.memory_space<hbm>>
      %dma_start3A_644 = arith.constant 0 : i32
      %dma_start3A_645 = tpu.memref_slice %arg5[%run_scoped3A_7, %dma_start3A_644] : memref<4x128xi32, #tpu.memory_space<vmem>> -> memref<1x128xi32, #tpu.memory_space<vmem>>
      %dma_start3A_646 = tpu.memref_squeeze %dma_start3A_645 : memref<1x128xi32, #tpu.memory_space<vmem>> -> memref<128xi32, #tpu.memory_space<vmem>>
      %dma_start3A_647 = tpu.memref_slice %arg2[%add3A_6] : memref<16384xi32, #tpu.memory_space<hbm>> -> memref<128xi32, #tpu.memory_space<hbm>>
      tpu.enqueue_dma source(%dma_start3A_647 : memref<128xi32, #tpu.memory_space<hbm>>) target(%dma_start3A_646 : memref<128xi32, #tpu.memory_space<vmem>>) target_semaphore(%run_scoped3A_639 : memref<!tpu.dma_semaphore, #tpu.memory_space<semaphore_mem>>)
      %dma_wait3A_648 = arith.constant 0 : i32
      %dma_wait3A_649 = tpu.memref_slice %arg5[%run_scoped3A_7, %dma_wait3A_648] : memref<4x128xi32, #tpu.memory_space<vmem>> -> memref<1x128xi32, #tpu.memory_space<vmem>>
      %dma_wait3A_650 = tpu.memref_squeeze %dma_wait3A_649 : memref<1x128xi32, #tpu.memory_space<vmem>> -> memref<128xi32, #tpu.memory_space<vmem>>
      %dma_wait3A_651 = tpu.memref_slice %arg2[%add3A_6] : memref<16384xi32, #tpu.memory_space<hbm>> -> memref<128xi32, #tpu.memory_space<hbm>>
      %dma_wait3A_652 = arith.constant 0 : i32
      %dma_wait3A_653 = tpu.memref_slice %arg5[%run_scoped3A_7, %dma_wait3A_652] : memref<4x128xi32, #tpu.memory_space<vmem>> -> memref<1x128xi32, #tpu.memory_space<vmem>>
      %dma_wait3A_654 = tpu.memref_squeeze %dma_wait3A_653 : memref<1x128xi32, #tpu.memory_space<vmem>> -> memref<128xi32, #tpu.memory_space<vmem>>
      %dma_wait3A_655 = tpu.memref_slice %arg2[%add3A_6] : memref<16384xi32, #tpu.memory_space<hbm>> -> memref<128xi32, #tpu.memory_space<hbm>>
      tpu.wait_dma2 semaphore(%run_scoped3A_639 : memref<!tpu.dma_semaphore, #tpu.memory_space<semaphore_mem>>) src(%dma_wait3A_655 : memref<128xi32, #tpu.memory_space<hbm>>) dst(%dma_wait3A_654 : memref<128xi32, #tpu.memory_space<vmem>>)
      tpu.yield
    }) : () -> ()
    %add3A_8 = arith.constant 8192 : i32
    %add3A_9 = arith.addi %add3A_8, %mul3A_2 : i32
    %run_scoped3A_10 = arith.constant 2 : i32
    "tpu.region"() ({
      %run_scoped3A_639 = tpu.sem_alloc : memref<!tpu.dma_semaphore, #tpu.memory_space<semaphore_mem>>
      %dma_start3A_640 = arith.constant 0 : i32
      %dma_start3A_641 = tpu.memref_slice %arg5[%run_scoped3A_10, %dma_start3A_640] : memref<4x128xi32, #tpu.memory_space<vmem>> -> memref<1x128xi32, #tpu.memory_space<vmem>>
      %dma_start3A_642 = tpu.memref_squeeze %dma_start3A_641 : memref<1x128xi32, #tpu.memory_space<vmem>> -> memref<128xi32, #tpu.memory_space<vmem>>
      %dma_start3A_643 = tpu.memref_slice %arg2[%add3A_9] : memref<16384xi32, #tpu.memory_space<hbm>> -> memref<128xi32, #tpu.memory_space<hbm>>
      %dma_start3A_644 = arith.constant 0 : i32
      %dma_start3A_645 = tpu.memref_slice %arg5[%run_scoped3A_10, %dma_start3A_644] : memref<4x128xi32, #tpu.memory_space<vmem>> -> memref<1x128xi32, #tpu.memory_space<vmem>>
      %dma_start3A_646 = tpu.memref_squeeze %dma_start3A_645 : memref<1x128xi32, #tpu.memory_space<vmem>> -> memref<128xi32, #tpu.memory_space<vmem>>
      %dma_start3A_647 = tpu.memref_slice %arg2[%add3A_9] : memref<16384xi32, #tpu.memory_space<hbm>> -> memref<128xi32, #tpu.memory_space<hbm>>
      tpu.enqueue_dma source(%dma_start3A_647 : memref<128xi32, #tpu.memory_space<hbm>>) target(%dma_start3A_646 : memref<128xi32, #tpu.memory_space<vmem>>) target_semaphore(%run_scoped3A_639 : memref<!tpu.dma_semaphore, #tpu.memory_space<semaphore_mem>>)
      %dma_wait3A_648 = arith.constant 0 : i32
      %dma_wait3A_649 = tpu.memref_slice %arg5[%run_scoped3A_10, %dma_wait3A_648] : memref<4x128xi32, #tpu.memory_space<vmem>> -> memref<1x128xi32, #tpu.memory_space<vmem>>
      %dma_wait3A_650 = tpu.memref_squeeze %dma_wait3A_649 : memref<1x128xi32, #tpu.memory_space<vmem>> -> memref<128xi32, #tpu.memory_space<vmem>>
      %dma_wait3A_651 = tpu.memref_slice %arg2[%add3A_9] : memref<16384xi32, #tpu.memory_space<hbm>> -> memref<128xi32, #tpu.memory_space<hbm>>
      %dma_wait3A_652 = arith.constant 0 : i32
      %dma_wait3A_653 = tpu.memref_slice %arg5[%run_scoped3A_10, %dma_wait3A_652] : memref<4x128xi32, #tpu.memory_space<vmem>> -> memref<1x128xi32, #tpu.memory_space<vmem>>
      %dma_wait3A_654 = tpu.memref_squeeze %dma_wait3A_653 : memref<1x128xi32, #tpu.memory_space<vmem>> -> memref<128xi32, #tpu.memory_space<vmem>>
      %dma_wait3A_655 = tpu.memref_slice %arg2[%add3A_9] : memref<16384xi32, #tpu.memory_space<hbm>> -> memref<128xi32, #tpu.memory_space<hbm>>
      tpu.wait_dma2 semaphore(%run_scoped3A_639 : memref<!tpu.dma_semaphore, #tpu.memory_space<semaphore_mem>>) src(%dma_wait3A_655 : memref<128xi32, #tpu.memory_space<hbm>>) dst(%dma_wait3A_654 : memref<128xi32, #tpu.memory_space<vmem>>)
      tpu.yield
    }) : () -> ()
    %add3A_11 = arith.constant 12288 : i32
    %add3A_12 = arith.addi %add3A_11, %mul3A_2 : i32
    %run_scoped3A_13 = arith.constant 3 : i32
    "tpu.region"() ({
      %run_scoped3A_639 = tpu.sem_alloc : memref<!tpu.dma_semaphore, #tpu.memory_space<semaphore_mem>>
      %dma_start3A_640 = arith.constant 0 : i32
      %dma_start3A_641 = tpu.memref_slice %arg5[%run_scoped3A_13, %dma_start3A_640] : memref<4x128xi32, #tpu.memory_space<vmem>> -> memref<1x128xi32, #tpu.memory_space<vmem>>
      %dma_start3A_642 = tpu.memref_squeeze %dma_start3A_641 : memref<1x128xi32, #tpu.memory_space<vmem>> -> memref<128xi32, #tpu.memory_space<vmem>>
      %dma_start3A_643 = tpu.memref_slice %arg2[%add3A_12] : memref<16384xi32, #tpu.memory_space<hbm>> -> memref<128xi32, #tpu.memory_space<hbm>>
      %dma_start3A_644 = arith.constant 0 : i32
      %dma_start3A_645 = tpu.memref_slice %arg5[%run_scoped3A_13, %dma_start3A_644] : memref<4x128xi32, #tpu.memory_space<vmem>> -> memref<1x128xi32, #tpu.memory_space<vmem>>
      %dma_start3A_646 = tpu.memref_squeeze %dma_start3A_645 : memref<1x128xi32, #tpu.memory_space<vmem>> -> memref<128xi32, #tpu.memory_space<vmem>>
      %dma_start3A_647 = tpu.memref_slice %arg2[%add3A_12] : memref<16384xi32, #tpu.memory_space<hbm>> -> memref<128xi32, #tpu.memory_space<hbm>>
      tpu.enqueue_dma source(%dma_start3A_647 : memref<128xi32, #tpu.memory_space<hbm>>) target(%dma_start3A_646 : memref<128xi32, #tpu.memory_space<vmem>>) target_semaphore(%run_scoped3A_639 : memref<!tpu.dma_semaphore, #tpu.memory_space<semaphore_mem>>)
      %dma_wait3A_648 = arith.constant 0 : i32
      %dma_wait3A_649 = tpu.memref_slice %arg5[%run_scoped3A_13, %dma_wait3A_648] : memref<4x128xi32, #tpu.memory_space<vmem>> -> memref<1x128xi32, #tpu.memory_space<vmem>>
      %dma_wait3A_650 = tpu.memref_squeeze %dma_wait3A_649 : memref<1x128xi32, #tpu.memory_space<vmem>> -> memref<128xi32, #tpu.memory_space<vmem>>
      %dma_wait3A_651 = tpu.memref_slice %arg2[%add3A_12] : memref<16384xi32, #tpu.memory_space<hbm>> -> memref<128xi32, #tpu.memory_space<hbm>>
      %dma_wait3A_652 = arith.constant 0 : i32
      %dma_wait3A_653 = tpu.memref_slice %arg5[%run_scoped3A_13, %dma_wait3A_652] : memref<4x128xi32, #tpu.memory_space<vmem>> -> memref<1x128xi32, #tpu.memory_space<vmem>>
      %dma_wait3A_654 = tpu.memref_squeeze %dma_wait3A_653 : memref<1x128xi32, #tpu.memory_space<vmem>> -> memref<128xi32, #tpu.memory_space<vmem>>
      %dma_wait3A_655 = tpu.memref_slice %arg2[%add3A_12] : memref<16384xi32, #tpu.memory_space<hbm>> -> memref<128xi32, #tpu.memory_space<hbm>>
      tpu.wait_dma2 semaphore(%run_scoped3A_639 : memref<!tpu.dma_semaphore, #tpu.memory_space<semaphore_mem>>) src(%dma_wait3A_655 : memref<128xi32, #tpu.memory_space<hbm>>) dst(%dma_wait3A_654 : memref<128xi32, #tpu.memory_space<vmem>>)
      tpu.yield
    }) : () -> ()
    %get3A = arith.constant 0 : i32
    %get3A_14 = arith.index_cast %get3A : i32 to index
    %get3A_15 = arith.constant 0 : index
    %get3A_16 = tpu.vector_load %arg5[%get3A_14, %get3A_15] {strides = array<i32>} : memref<4x128xi32, #tpu.memory_space<vmem>>, vector<1x16xi32>,
    %get3A_17 = vector.shape_cast %get3A_16 : vector<1x16xi32> to vector<16xi32>
    %mul3A_18 = arith.constant 4 : i32
    %mul3A_19 = vector.broadcast %mul3A_18 : i32 to vector<16xi32>
    %mul3A_20 = arith.muli %get3A_17, %mul3A_19 : vector<16xi32>
    %add3A_21 = arith.constant 0 : i32
    %add3A_22 = vector.broadcast %add3A_21 : i32 to vector<16xi32>
    %add3A_23 = arith.addi %mul3A_20, %add3A_22 : vector<16xi32>
    %swap3A = arith.constant 0 : i32
    %swap3A_24 = arith.index_cast %swap3A : i32 to index
    %swap3A_25 = arith.constant 0 : index
    %swap3A_26 = tpu.vector_load %arg6[%swap3A_24, %swap3A_25] {strides = array<i32>} : memref<4x128xi32, #tpu.memory_space<vmem>>, vector<1x16xi32>,
    %swap3A_27 = vector.shape_cast %swap3A_26 : vector<1x16xi32> to vector<16xi32>
    %swap3A_28 = vector.shape_cast %add3A_23 : vector<16xi32> to vector<1x16xi32>
    tpu.vector_store %arg6[%swap3A_24, %swap3A_25], %swap3A_28 {strides = array<i32>} : memref<4x128xi32, #tpu.memory_space<vmem>>, vector<1x16xi32>,
    %get3A_29 = arith.constant 0 : i32
    %get3A_30 = arith.index_cast %get3A_29 : i32 to index
    %get3A_31 = arith.constant 16 : index
    %get3A_32 = tpu.vector_load %arg5[%get3A_30, %get3A_31] {strides = array<i32>} : memref<4x128xi32, #tpu.memory_space<vmem>>, vector<1x16xi32>,
    %get3A_33 = vector.shape_cast %get3A_32 : vector<1x16xi32> to vector<16xi32>
    %mul3A_34 = arith.constant 4 : i32
    %mul3A_35 = vector.broadcast %mul3A_34 : i32 to vector<16xi32>
    %mul3A_36 = arith.muli %get3A_33, %mul3A_35 : vector<16xi32>
    %add3A_37 = arith.constant 0 : i32
    %add3A_38 = vector.broadcast %add3A_37 : i32 to vector<16xi32>
    %add3A_39 = arith.addi %mul3A_36, %add3A_38 : vector<16xi32>
    %swap3A_40 = arith.constant 0 : i32
    %swap3A_41 = arith.index_cast %swap3A_40 : i32 to index
    %swap3A_42 = arith.constant 16 : index
    %swap3A_43 = tpu.vector_load %arg6[%swap3A_41, %swap3A_42] {strides = array<i32>} : memref<4x128xi32, #tpu.memory_space<vmem>>, vector<1x16xi32>,
    %swap3A_44 = vector.shape_cast %swap3A_43 : vector<1x16xi32> to vector<16xi32>
    %swap3A_45 = vector.shape_cast %add3A_39 : vector<16xi32> to vector<1x16xi32>
    tpu.vector_store %arg6[%swap3A_41, %swap3A_42], %swap3A_45 {strides = array<i32>} : memref<4x128xi32, #tpu.memory_space<vmem>>, vector<1x16xi32>,
    %get3A_46 = arith.constant 0 : i32
    %get3A_47 = arith.index_cast %get3A_46 : i32 to index
    %get3A_48 = arith.constant 32 : index
    %get3A_49 = tpu.vector_load %arg5[%get3A_47, %get3A_48] {strides = array<i32>} : memref<4x128xi32, #tpu.memory_space<vmem>>, vector<1x16xi32>,
    %get3A_50 = vector.shape_cast %get3A_49 : vector<1x16xi32> to vector<16xi32>
    %mul3A_51 = arith.constant 4 : i32
    %mul3A_52 = vector.broadcast %mul3A_51 : i32 to vector<16xi32>
    %mul3A_53 = arith.muli %get3A_50, %mul3A_52 : vector<16xi32>
    %add3A_54 = arith.constant 0 : i32
    %add3A_55 = vector.broadcast %add3A_54 : i32 to vector<16xi32>
    %add3A_56 = arith.addi %mul3A_53, %add3A_55 : vector<16xi32>
    %swap3A_57 = arith.constant 0 : i32
    %swap3A_58 = arith.index_cast %swap3A_57 : i32 to index
    %swap3A_59 = arith.constant 32 : index
    %swap3A_60 = tpu.vector_load %arg6[%swap3A_58, %swap3A_59] {strides = array<i32>} : memref<4x128xi32, #tpu.memory_space<vmem>>, vector<1x16xi32>,
    %swap3A_61 = vector.shape_cast %swap3A_60 : vector<1x16xi32> to vector<16xi32>
    %swap3A_62 = vector.shape_cast %add3A_56 : vector<16xi32> to vector<1x16xi32>
    tpu.vector_store %arg6[%swap3A_58, %swap3A_59], %swap3A_62 {strides = array<i32>} : memref<4x128xi32, #tpu.memory_space<vmem>>, vector<1x16xi32>,
    %get3A_63 = arith.constant 0 : i32
    %get3A_64 = arith.index_cast %get3A_63 : i32 to index
    %get3A_65 = arith.constant 48 : index
    %get3A_66 = tpu.vector_load %arg5[%get3A_64, %get3A_65] {strides = array<i32>} : memref<4x128xi32, #tpu.memory_space<vmem>>, vector<1x16xi32>,
    %get3A_67 = vector.shape_cast %get3A_66 : vector<1x16xi32> to vector<16xi32>
    %mul3A_68 = arith.constant 4 : i32
    %mul3A_69 = vector.broadcast %mul3A_68 : i32 to vector<16xi32>
    %mul3A_70 = arith.muli %get3A_67, %mul3A_69 : vector<16xi32>
    %add3A_71 = arith.constant 0 : i32
    %add3A_72 = vector.broadcast %add3A_71 : i32 to vector<16xi32>
    %add3A_73 = arith.addi %mul3A_70, %add3A_72 : vector<16xi32>
    %swap3A_74 = arith.constant 0 : i32
    %swap3A_75 = arith.index_cast %swap3A_74 : i32 to index
    %swap3A_76 = arith.constant 48 : index
    %swap3A_77 = tpu.vector_load %arg6[%swap3A_75, %swap3A_76] {strides = array<i32>} : memref<4x128xi32, #tpu.memory_space<vmem>>, vector<1x16xi32>,
    %swap3A_78 = vector.shape_cast %swap3A_77 : vector<1x16xi32> to vector<16xi32>
    %swap3A_79 = vector.shape_cast %add3A_73 : vector<16xi32> to vector<1x16xi32>
    tpu.vector_store %arg6[%swap3A_75, %swap3A_76], %swap3A_79 {strides = array<i32>} : memref<4x128xi32, #tpu.memory_space<vmem>>, vector<1x16xi32>,
    %get3A_80 = arith.constant 0 : i32
    %get3A_81 = arith.index_cast %get3A_80 : i32 to index
    %get3A_82 = arith.constant 64 : index
    %get3A_83 = tpu.vector_load %arg5[%get3A_81, %get3A_82] {strides = array<i32>} : memref<4x128xi32, #tpu.memory_space<vmem>>, vector<1x16xi32>,
    %get3A_84 = vector.shape_cast %get3A_83 : vector<1x16xi32> to vector<16xi32>
    %mul3A_85 = arith.constant 4 : i32
    %mul3A_86 = vector.broadcast %mul3A_85 : i32 to vector<16xi32>
    %mul3A_87 = arith.muli %get3A_84, %mul3A_86 : vector<16xi32>
    %add3A_88 = arith.constant 0 : i32
    %add3A_89 = vector.broadcast %add3A_88 : i32 to vector<16xi32>
    %add3A_90 = arith.addi %mul3A_87, %add3A_89 : vector<16xi32>
    %swap3A_91 = arith.constant 0 : i32
    %swap3A_92 = arith.index_cast %swap3A_91 : i32 to index
    %swap3A_93 = arith.constant 64 : index
    %swap3A_94 = tpu.vector_load %arg6[%swap3A_92, %swap3A_93] {strides = array<i32>} : memref<4x128xi32, #tpu.memory_space<vmem>>, vector<1x16xi32>,
    %swap3A_95 = vector.shape_cast %swap3A_94 : vector<1x16xi32> to vector<16xi32>
    %swap3A_96 = vector.shape_cast %add3A_90 : vector<16xi32> to vector<1x16xi32>
    tpu.vector_store %arg6[%swap3A_92, %swap3A_93], %swap3A_96 {strides = array<i32>} : memref<4x128xi32, #tpu.memory_space<vmem>>, vector<1x16xi32>,
    %get3A_97 = arith.constant 0 : i32
    %get3A_98 = arith.index_cast %get3A_97 : i32 to index
    %get3A_99 = arith.constant 80 : index
    %get3A_100 = tpu.vector_load %arg5[%get3A_98, %get3A_99] {strides = array<i32>} : memref<4x128xi32, #tpu.memory_space<vmem>>, vector<1x16xi32>,
    %get3A_101 = vector.shape_cast %get3A_100 : vector<1x16xi32> to vector<16xi32>
    %mul3A_102 = arith.constant 4 : i32
    %mul3A_103 = vector.broadcast %mul3A_102 : i32 to vector<16xi32>
    %mul3A_104 = arith.muli %get3A_101, %mul3A_103 : vector<16xi32>
    %add3A_105 = arith.constant 0 : i32
    %add3A_106 = vector.broadcast %add3A_105 : i32 to vector<16xi32>
    %add3A_107 = arith.addi %mul3A_104, %add3A_106 : vector<16xi32>
    %swap3A_108 = arith.constant 0 : i32
    %swap3A_109 = arith.index_cast %swap3A_108 : i32 to index
    %swap3A_110 = arith.constant 80 : index
    %swap3A_111 = tpu.vector_load %arg6[%swap3A_109, %swap3A_110] {strides = array<i32>} : memref<4x128xi32, #tpu.memory_space<vmem>>, vector<1x16xi32>,
    %swap3A_112 = vector.shape_cast %swap3A_111 : vector<1x16xi32> to vector<16xi32>
    %swap3A_113 = vector.shape_cast %add3A_107 : vector<16xi32> to vector<1x16xi32>
    tpu.vector_store %arg6[%swap3A_109, %swap3A_110], %swap3A_113 {strides = array<i32>} : memref<4x128xi32, #tpu.memory_space<vmem>>, vector<1x16xi32>,
    %get3A_114 = arith.constant 0 : i32
    %get3A_115 = arith.index_cast %get3A_114 : i32 to index
    %get3A_116 = arith.constant 96 : index
    %get3A_117 = tpu.vector_load %arg5[%get3A_115, %get3A_116] {strides = array<i32>} : memref<4x128xi32, #tpu.memory_space<vmem>>, vector<1x16xi32>,
    %get3A_118 = vector.shape_cast %get3A_117 : vector<1x16xi32> to vector<16xi32>
    %mul3A_119 = arith.constant 4 : i32
    %mul3A_120 = vector.broadcast %mul3A_119 : i32 to vector<16xi32>
    %mul3A_121 = arith.muli %get3A_118, %mul3A_120 : vector<16xi32>
    %add3A_122 = arith.constant 0 : i32
    %add3A_123 = vector.broadcast %add3A_122 : i32 to vector<16xi32>
    %add3A_124 = arith.addi %mul3A_121, %add3A_123 : vector<16xi32>
    %swap3A_125 = arith.constant 0 : i32
    %swap3A_126 = arith.index_cast %swap3A_125 : i32 to index
    %swap3A_127 = arith.constant 96 : index
    %swap3A_128 = tpu.vector_load %arg6[%swap3A_126, %swap3A_127] {strides = array<i32>} : memref<4x128xi32, #tpu.memory_space<vmem>>, vector<1x16xi32>,
    %swap3A_129 = vector.shape_cast %swap3A_128 : vector<1x16xi32> to vector<16xi32>
    %swap3A_130 = vector.shape_cast %add3A_124 : vector<16xi32> to vector<1x16xi32>
    tpu.vector_store %arg6[%swap3A_126, %swap3A_127], %swap3A_130 {strides = array<i32>} : memref<4x128xi32, #tpu.memory_space<vmem>>, vector<1x16xi32>,
    %get3A_131 = arith.constant 0 : i32
    %get3A_132 = arith.index_cast %get3A_131 : i32 to index
    %get3A_133 = arith.constant 112 : index
    %get3A_134 = tpu.vector_load %arg5[%get3A_132, %get3A_133] {strides = array<i32>} : memref<4x128xi32, #tpu.memory_space<vmem>>, vector<1x16xi32>,
    %get3A_135 = vector.shape_cast %get3A_134 : vector<1x16xi32> to vector<16xi32>
    %mul3A_136 = arith.constant 4 : i32
    %mul3A_137 = vector.broadcast %mul3A_136 : i32 to vector<16xi32>
    %mul3A_138 = arith.muli %get3A_135, %mul3A_137 : vector<16xi32>
    %add3A_139 = arith.constant 0 : i32
    %add3A_140 = vector.broadcast %add3A_139 : i32 to vector<16xi32>
    %add3A_141 = arith.addi %mul3A_138, %add3A_140 : vector<16xi32>
    %swap3A_142 = arith.constant 0 : i32
    %swap3A_143 = arith.index_cast %swap3A_142 : i32 to index
    %swap3A_144 = arith.constant 112 : index
    %swap3A_145 = tpu.vector_load %arg6[%swap3A_143, %swap3A_144] {strides = array<i32>} : memref<4x128xi32, #tpu.memory_space<vmem>>, vector<1x16xi32>,
    %swap3A_146 = vector.shape_cast %swap3A_145 : vector<1x16xi32> to vector<16xi32>
    %swap3A_147 = vector.shape_cast %add3A_141 : vector<16xi32> to vector<1x16xi32>
    tpu.vector_store %arg6[%swap3A_143, %swap3A_144], %swap3A_147 {strides = array<i32>} : memref<4x128xi32, #tpu.memory_space<vmem>>, vector<1x16xi32>,
    %get3A_148 = arith.constant 1 : i32
    %get3A_149 = arith.index_cast %get3A_148 : i32 to index
    %get3A_150 = arith.constant 0 : index
    %get3A_151 = tpu.vector_load %arg5[%get3A_149, %get3A_150] {strides = array<i32>} : memref<4x128xi32, #tpu.memory_space<vmem>>, vector<1x16xi32>,
    %get3A_152 = vector.shape_cast %get3A_151 : vector<1x16xi32> to vector<16xi32>
    %mul3A_153 = arith.constant 4 : i32
    %mul3A_154 = vector.broadcast %mul3A_153 : i32 to vector<16xi32>
    %mul3A_155 = arith.muli %get3A_152, %mul3A_154 : vector<16xi32>
    %add3A_156 = arith.constant 1 : i32
    %add3A_157 = vector.broadcast %add3A_156 : i32 to vector<16xi32>
    %add3A_158 = arith.addi %mul3A_155, %add3A_157 : vector<16xi32>
    %swap3A_159 = arith.constant 1 : i32
    %swap3A_160 = arith.index_cast %swap3A_159 : i32 to index
    %swap3A_161 = arith.constant 0 : index
    %swap3A_162 = tpu.vector_load %arg6[%swap3A_160, %swap3A_161] {strides = array<i32>} : memref<4x128xi32, #tpu.memory_space<vmem>>, vector<1x16xi32>,
    %swap3A_163 = vector.shape_cast %swap3A_162 : vector<1x16xi32> to vector<16xi32>
    %swap3A_164 = vector.shape_cast %add3A_158 : vector<16xi32> to vector<1x16xi32>
    tpu.vector_store %arg6[%swap3A_160, %swap3A_161], %swap3A_164 {strides = array<i32>} : memref<4x128xi32, #tpu.memory_space<vmem>>, vector<1x16xi32>,
    %get3A_165 = arith.constant 1 : i32
    %get3A_166 = arith.index_cast %get3A_165 : i32 to index
    %get3A_167 = arith.constant 16 : index
    %get3A_168 = tpu.vector_load %arg5[%get3A_166, %get3A_167] {strides = array<i32>} : memref<4x128xi32, #tpu.memory_space<vmem>>, vector<1x16xi32>,
    %get3A_169 = vector.shape_cast %get3A_168 : vector<1x16xi32> to vector<16xi32>
    %mul3A_170 = arith.constant 4 : i32
    %mul3A_171 = vector.broadcast %mul3A_170 : i32 to vector<16xi32>
    %mul3A_172 = arith.muli %get3A_169, %mul3A_171 : vector<16xi32>
    %add3A_173 = arith.constant 1 : i32
    %add3A_174 = vector.broadcast %add3A_173 : i32 to vector<16xi32>
    %add3A_175 = arith.addi %mul3A_172, %add3A_174 : vector<16xi32>
    %swap3A_176 = arith.constant 1 : i32
    %swap3A_177 = arith.index_cast %swap3A_176 : i32 to index
    %swap3A_178 = arith.constant 16 : index
    %swap3A_179 = tpu.vector_load %arg6[%swap3A_177, %swap3A_178] {strides = array<i32>} : memref<4x128xi32, #tpu.memory_space<vmem>>, vector<1x16xi32>,
    %swap3A_180 = vector.shape_cast %swap3A_179 : vector<1x16xi32> to vector<16xi32>
    %swap3A_181 = vector.shape_cast %add3A_175 : vector<16xi32> to vector<1x16xi32>
    tpu.vector_store %arg6[%swap3A_177, %swap3A_178], %swap3A_181 {strides = array<i32>} : memref<4x128xi32, #tpu.memory_space<vmem>>, vector<1x16xi32>,
    %get3A_182 = arith.constant 1 : i32
    %get3A_183 = arith.index_cast %get3A_182 : i32 to index
    %get3A_184 = arith.constant 32 : index
    %get3A_185 = tpu.vector_load %arg5[%get3A_183, %get3A_184] {strides = array<i32>} : memref<4x128xi32, #tpu.memory_space<vmem>>, vector<1x16xi32>,
    %get3A_186 = vector.shape_cast %get3A_185 : vector<1x16xi32> to vector<16xi32>
    %mul3A_187 = arith.constant 4 : i32
    %mul3A_188 = vector.broadcast %mul3A_187 : i32 to vector<16xi32>
    %mul3A_189 = arith.muli %get3A_186, %mul3A_188 : vector<16xi32>
    %add3A_190 = arith.constant 1 : i32
    %add3A_191 = vector.broadcast %add3A_190 : i32 to vector<16xi32>
    %add3A_192 = arith.addi %mul3A_189, %add3A_191 : vector<16xi32>
    %swap3A_193 = arith.constant 1 : i32
    %swap3A_194 = arith.index_cast %swap3A_193 : i32 to index
    %swap3A_195 = arith.constant 32 : index
    %swap3A_196 = tpu.vector_load %arg6[%swap3A_194, %swap3A_195] {strides = array<i32>} : memref<4x128xi32, #tpu.memory_space<vmem>>, vector<1x16xi32>,
    %swap3A_197 = vector.shape_cast %swap3A_196 : vector<1x16xi32> to vector<16xi32>
    %swap3A_198 = vector.shape_cast %add3A_192 : vector<16xi32> to vector<1x16xi32>
    tpu.vector_store %arg6[%swap3A_194, %swap3A_195], %swap3A_198 {strides = array<i32>} : memref<4x128xi32, #tpu.memory_space<vmem>>, vector<1x16xi32>,
    %get3A_199 = arith.constant 1 : i32
    %get3A_200 = arith.index_cast %get3A_199 : i32 to index
    %get3A_201 = arith.constant 48 : index
    %get3A_202 = tpu.vector_load %arg5[%get3A_200, %get3A_201] {strides = array<i32>} : memref<4x128xi32, #tpu.memory_space<vmem>>, vector<1x16xi32>,
    %get3A_203 = vector.shape_cast %get3A_202 : vector<1x16xi32> to vector<16xi32>
    %mul3A_204 = arith.constant 4 : i32
    %mul3A_205 = vector.broadcast %mul3A_204 : i32 to vector<16xi32>
    %mul3A_206 = arith.muli %get3A_203, %mul3A_205 : vector<16xi32>
    %add3A_207 = arith.constant 1 : i32
    %add3A_208 = vector.broadcast %add3A_207 : i32 to vector<16xi32>
    %add3A_209 = arith.addi %mul3A_206, %add3A_208 : vector<16xi32>
    %swap3A_210 = arith.constant 1 : i32
    %swap3A_211 = arith.index_cast %swap3A_210 : i32 to index
    %swap3A_212 = arith.constant 48 : index
    %swap3A_213 = tpu.vector_load %arg6[%swap3A_211, %swap3A_212] {strides = array<i32>} : memref<4x128xi32, #tpu.memory_space<vmem>>, vector<1x16xi32>,
    %swap3A_214 = vector.shape_cast %swap3A_213 : vector<1x16xi32> to vector<16xi32>
    %swap3A_215 = vector.shape_cast %add3A_209 : vector<16xi32> to vector<1x16xi32>
    tpu.vector_store %arg6[%swap3A_211, %swap3A_212], %swap3A_215 {strides = array<i32>} : memref<4x128xi32, #tpu.memory_space<vmem>>, vector<1x16xi32>,
    %get3A_216 = arith.constant 1 : i32
    %get3A_217 = arith.index_cast %get3A_216 : i32 to index
    %get3A_218 = arith.constant 64 : index
    %get3A_219 = tpu.vector_load %arg5[%get3A_217, %get3A_218] {strides = array<i32>} : memref<4x128xi32, #tpu.memory_space<vmem>>, vector<1x16xi32>,
    %get3A_220 = vector.shape_cast %get3A_219 : vector<1x16xi32> to vector<16xi32>
    %mul3A_221 = arith.constant 4 : i32
    %mul3A_222 = vector.broadcast %mul3A_221 : i32 to vector<16xi32>
    %mul3A_223 = arith.muli %get3A_220, %mul3A_222 : vector<16xi32>
    %add3A_224 = arith.constant 1 : i32
    %add3A_225 = vector.broadcast %add3A_224 : i32 to vector<16xi32>
    %add3A_226 = arith.addi %mul3A_223, %add3A_225 : vector<16xi32>
    %swap3A_227 = arith.constant 1 : i32
    %swap3A_228 = arith.index_cast %swap3A_227 : i32 to index
    %swap3A_229 = arith.constant 64 : index
    %swap3A_230 = tpu.vector_load %arg6[%swap3A_228, %swap3A_229] {strides = array<i32>} : memref<4x128xi32, #tpu.memory_space<vmem>>, vector<1x16xi32>,
    %swap3A_231 = vector.shape_cast %swap3A_230 : vector<1x16xi32> to vector<16xi32>
    %swap3A_232 = vector.shape_cast %add3A_226 : vector<16xi32> to vector<1x16xi32>
    tpu.vector_store %arg6[%swap3A_228, %swap3A_229], %swap3A_232 {strides = array<i32>} : memref<4x128xi32, #tpu.memory_space<vmem>>, vector<1x16xi32>,
    %get3A_233 = arith.constant 1 : i32
    %get3A_234 = arith.index_cast %get3A_233 : i32 to index
    %get3A_235 = arith.constant 80 : index
    %get3A_236 = tpu.vector_load %arg5[%get3A_234, %get3A_235] {strides = array<i32>} : memref<4x128xi32, #tpu.memory_space<vmem>>, vector<1x16xi32>,
    %get3A_237 = vector.shape_cast %get3A_236 : vector<1x16xi32> to vector<16xi32>
    %mul3A_238 = arith.constant 4 : i32
    %mul3A_239 = vector.broadcast %mul3A_238 : i32 to vector<16xi32>
    %mul3A_240 = arith.muli %get3A_237, %mul3A_239 : vector<16xi32>
    %add3A_241 = arith.constant 1 : i32
    %add3A_242 = vector.broadcast %add3A_241 : i32 to vector<16xi32>
    %add3A_243 = arith.addi %mul3A_240, %add3A_242 : vector<16xi32>
    %swap3A_244 = arith.constant 1 : i32
    %swap3A_245 = arith.index_cast %swap3A_244 : i32 to index
    %swap3A_246 = arith.constant 80 : index
    %swap3A_247 = tpu.vector_load %arg6[%swap3A_245, %swap3A_246] {strides = array<i32>} : memref<4x128xi32, #tpu.memory_space<vmem>>, vector<1x16xi32>,
    %swap3A_248 = vector.shape_cast %swap3A_247 : vector<1x16xi32> to vector<16xi32>
    %swap3A_249 = vector.shape_cast %add3A_243 : vector<16xi32> to vector<1x16xi32>
    tpu.vector_store %arg6[%swap3A_245, %swap3A_246], %swap3A_249 {strides = array<i32>} : memref<4x128xi32, #tpu.memory_space<vmem>>, vector<1x16xi32>,
    %get3A_250 = arith.constant 1 : i32
    %get3A_251 = arith.index_cast %get3A_250 : i32 to index
    %get3A_252 = arith.constant 96 : index
    %get3A_253 = tpu.vector_load %arg5[%get3A_251, %get3A_252] {strides = array<i32>} : memref<4x128xi32, #tpu.memory_space<vmem>>, vector<1x16xi32>,
    %get3A_254 = vector.shape_cast %get3A_253 : vector<1x16xi32> to vector<16xi32>
    %mul3A_255 = arith.constant 4 : i32
    %mul3A_256 = vector.broadcast %mul3A_255 : i32 to vector<16xi32>
    %mul3A_257 = arith.muli %get3A_254, %mul3A_256 : vector<16xi32>
    %add3A_258 = arith.constant 1 : i32
    %add3A_259 = vector.broadcast %add3A_258 : i32 to vector<16xi32>
    %add3A_260 = arith.addi %mul3A_257, %add3A_259 : vector<16xi32>
    %swap3A_261 = arith.constant 1 : i32
    %swap3A_262 = arith.index_cast %swap3A_261 : i32 to index
    %swap3A_263 = arith.constant 96 : index
    %swap3A_264 = tpu.vector_load %arg6[%swap3A_262, %swap3A_263] {strides = array<i32>} : memref<4x128xi32, #tpu.memory_space<vmem>>, vector<1x16xi32>,
    %swap3A_265 = vector.shape_cast %swap3A_264 : vector<1x16xi32> to vector<16xi32>
    %swap3A_266 = vector.shape_cast %add3A_260 : vector<16xi32> to vector<1x16xi32>
    tpu.vector_store %arg6[%swap3A_262, %swap3A_263], %swap3A_266 {strides = array<i32>} : memref<4x128xi32, #tpu.memory_space<vmem>>, vector<1x16xi32>,
    %get3A_267 = arith.constant 1 : i32
    %get3A_268 = arith.index_cast %get3A_267 : i32 to index
    %get3A_269 = arith.constant 112 : index
    %get3A_270 = tpu.vector_load %arg5[%get3A_268, %get3A_269] {strides = array<i32>} : memref<4x128xi32, #tpu.memory_space<vmem>>, vector<1x16xi32>,
    %get3A_271 = vector.shape_cast %get3A_270 : vector<1x16xi32> to vector<16xi32>
    %mul3A_272 = arith.constant 4 : i32
    %mul3A_273 = vector.broadcast %mul3A_272 : i32 to vector<16xi32>
    %mul3A_274 = arith.muli %get3A_271, %mul3A_273 : vector<16xi32>
    %add3A_275 = arith.constant 1 : i32
    %add3A_276 = vector.broadcast %add3A_275 : i32 to vector<16xi32>
    %add3A_277 = arith.addi %mul3A_274, %add3A_276 : vector<16xi32>
    %swap3A_278 = arith.constant 1 : i32
    %swap3A_279 = arith.index_cast %swap3A_278 : i32 to index
    %swap3A_280 = arith.constant 112 : index
    %swap3A_281 = tpu.vector_load %arg6[%swap3A_279, %swap3A_280] {strides = array<i32>} : memref<4x128xi32, #tpu.memory_space<vmem>>, vector<1x16xi32>,
    %swap3A_282 = vector.shape_cast %swap3A_281 : vector<1x16xi32> to vector<16xi32>
    %swap3A_283 = vector.shape_cast %add3A_277 : vector<16xi32> to vector<1x16xi32>
    tpu.vector_store %arg6[%swap3A_279, %swap3A_280], %swap3A_283 {strides = array<i32>} : memref<4x128xi32, #tpu.memory_space<vmem>>, vector<1x16xi32>,
    %get3A_284 = arith.constant 2 : i32
    %get3A_285 = arith.index_cast %get3A_284 : i32 to index
    %get3A_286 = arith.constant 0 : index
    %get3A_287 = tpu.vector_load %arg5[%get3A_285, %get3A_286] {strides = array<i32>} : memref<4x128xi32, #tpu.memory_space<vmem>>, vector<1x16xi32>,
    %get3A_288 = vector.shape_cast %get3A_287 : vector<1x16xi32> to vector<16xi32>
    %mul3A_289 = arith.constant 4 : i32
    %mul3A_290 = vector.broadcast %mul3A_289 : i32 to vector<16xi32>
    %mul3A_291 = arith.muli %get3A_288, %mul3A_290 : vector<16xi32>
    %add3A_292 = arith.constant 2 : i32
    %add3A_293 = vector.broadcast %add3A_292 : i32 to vector<16xi32>
    %add3A_294 = arith.addi %mul3A_291, %add3A_293 : vector<16xi32>
    %swap3A_295 = arith.constant 2 : i32
    %swap3A_296 = arith.index_cast %swap3A_295 : i32 to index
    %swap3A_297 = arith.constant 0 : index
    %swap3A_298 = tpu.vector_load %arg6[%swap3A_296, %swap3A_297] {strides = array<i32>} : memref<4x128xi32, #tpu.memory_space<vmem>>, vector<1x16xi32>,
    %swap3A_299 = vector.shape_cast %swap3A_298 : vector<1x16xi32> to vector<16xi32>
    %swap3A_300 = vector.shape_cast %add3A_294 : vector<16xi32> to vector<1x16xi32>
    tpu.vector_store %arg6[%swap3A_296, %swap3A_297], %swap3A_300 {strides = array<i32>} : memref<4x128xi32, #tpu.memory_space<vmem>>, vector<1x16xi32>,
    %get3A_301 = arith.constant 2 : i32
    %get3A_302 = arith.index_cast %get3A_301 : i32 to index
    %get3A_303 = arith.constant 16 : index
    %get3A_304 = tpu.vector_load %arg5[%get3A_302, %get3A_303] {strides = array<i32>} : memref<4x128xi32, #tpu.memory_space<vmem>>, vector<1x16xi32>,
    %get3A_305 = vector.shape_cast %get3A_304 : vector<1x16xi32> to vector<16xi32>
    %mul3A_306 = arith.constant 4 : i32
    %mul3A_307 = vector.broadcast %mul3A_306 : i32 to vector<16xi32>
    %mul3A_308 = arith.muli %get3A_305, %mul3A_307 : vector<16xi32>
    %add3A_309 = arith.constant 2 : i32
    %add3A_310 = vector.broadcast %add3A_309 : i32 to vector<16xi32>
    %add3A_311 = arith.addi %mul3A_308, %add3A_310 : vector<16xi32>
    %swap3A_312 = arith.constant 2 : i32
    %swap3A_313 = arith.index_cast %swap3A_312 : i32 to index
    %swap3A_314 = arith.constant 16 : index
    %swap3A_315 = tpu.vector_load %arg6[%swap3A_313, %swap3A_314] {strides = array<i32>} : memref<4x128xi32, #tpu.memory_space<vmem>>, vector<1x16xi32>,
    %swap3A_316 = vector.shape_cast %swap3A_315 : vector<1x16xi32> to vector<16xi32>
    %swap3A_317 = vector.shape_cast %add3A_311 : vector<16xi32> to vector<1x16xi32>
    tpu.vector_store %arg6[%swap3A_313, %swap3A_314], %swap3A_317 {strides = array<i32>} : memref<4x128xi32, #tpu.memory_space<vmem>>, vector<1x16xi32>,
    %get3A_318 = arith.constant 2 : i32
    %get3A_319 = arith.index_cast %get3A_318 : i32 to index
    %get3A_320 = arith.constant 32 : index
    %get3A_321 = tpu.vector_load %arg5[%get3A_319, %get3A_320] {strides = array<i32>} : memref<4x128xi32, #tpu.memory_space<vmem>>, vector<1x16xi32>,
    %get3A_322 = vector.shape_cast %get3A_321 : vector<1x16xi32> to vector<16xi32>
    %mul3A_323 = arith.constant 4 : i32
    %mul3A_324 = vector.broadcast %mul3A_323 : i32 to vector<16xi32>
    %mul3A_325 = arith.muli %get3A_322, %mul3A_324 : vector<16xi32>
    %add3A_326 = arith.constant 2 : i32
    %add3A_327 = vector.broadcast %add3A_326 : i32 to vector<16xi32>
    %add3A_328 = arith.addi %mul3A_325, %add3A_327 : vector<16xi32>
    %swap3A_329 = arith.constant 2 : i32
    %swap3A_330 = arith.index_cast %swap3A_329 : i32 to index
    %swap3A_331 = arith.constant 32 : index
    %swap3A_332 = tpu.vector_load %arg6[%swap3A_330, %swap3A_331] {strides = array<i32>} : memref<4x128xi32, #tpu.memory_space<vmem>>, vector<1x16xi32>,
    %swap3A_333 = vector.shape_cast %swap3A_332 : vector<1x16xi32> to vector<16xi32>
    %swap3A_334 = vector.shape_cast %add3A_328 : vector<16xi32> to vector<1x16xi32>
    tpu.vector_store %arg6[%swap3A_330, %swap3A_331], %swap3A_334 {strides = array<i32>} : memref<4x128xi32, #tpu.memory_space<vmem>>, vector<1x16xi32>,
    %get3A_335 = arith.constant 2 : i32
    %get3A_336 = arith.index_cast %get3A_335 : i32 to index
    %get3A_337 = arith.constant 48 : index
    %get3A_338 = tpu.vector_load %arg5[%get3A_336, %get3A_337] {strides = array<i32>} : memref<4x128xi32, #tpu.memory_space<vmem>>, vector<1x16xi32>,
    %get3A_339 = vector.shape_cast %get3A_338 : vector<1x16xi32> to vector<16xi32>
    %mul3A_340 = arith.constant 4 : i32
    %mul3A_341 = vector.broadcast %mul3A_340 : i32 to vector<16xi32>
    %mul3A_342 = arith.muli %get3A_339, %mul3A_341 : vector<16xi32>
    %add3A_343 = arith.constant 2 : i32
    %add3A_344 = vector.broadcast %add3A_343 : i32 to vector<16xi32>
    %add3A_345 = arith.addi %mul3A_342, %add3A_344 : vector<16xi32>
    %swap3A_346 = arith.constant 2 : i32
    %swap3A_347 = arith.index_cast %swap3A_346 : i32 to index
    %swap3A_348 = arith.constant 48 : index
    %swap3A_349 = tpu.vector_load %arg6[%swap3A_347, %swap3A_348] {strides = array<i32>} : memref<4x128xi32, #tpu.memory_space<vmem>>, vector<1x16xi32>,
    %swap3A_350 = vector.shape_cast %swap3A_349 : vector<1x16xi32> to vector<16xi32>
    %swap3A_351 = vector.shape_cast %add3A_345 : vector<16xi32> to vector<1x16xi32>
    tpu.vector_store %arg6[%swap3A_347, %swap3A_348], %swap3A_351 {strides = array<i32>} : memref<4x128xi32, #tpu.memory_space<vmem>>, vector<1x16xi32>,
    %get3A_352 = arith.constant 2 : i32
    %get3A_353 = arith.index_cast %get3A_352 : i32 to index
    %get3A_354 = arith.constant 64 : index
    %get3A_355 = tpu.vector_load %arg5[%get3A_353, %get3A_354] {strides = array<i32>} : memref<4x128xi32, #tpu.memory_space<vmem>>, vector<1x16xi32>,
    %get3A_356 = vector.shape_cast %get3A_355 : vector<1x16xi32> to vector<16xi32>
    %mul3A_357 = arith.constant 4 : i32
    %mul3A_358 = vector.broadcast %mul3A_357 : i32 to vector<16xi32>
    %mul3A_359 = arith.muli %get3A_356, %mul3A_358 : vector<16xi32>
    %add3A_360 = arith.constant 2 : i32
    %add3A_361 = vector.broadcast %add3A_360 : i32 to vector<16xi32>
    %add3A_362 = arith.addi %mul3A_359, %add3A_361 : vector<16xi32>
    %swap3A_363 = arith.constant 2 : i32
    %swap3A_364 = arith.index_cast %swap3A_363 : i32 to index
    %swap3A_365 = arith.constant 64 : index
    %swap3A_366 = tpu.vector_load %arg6[%swap3A_364, %swap3A_365] {strides = array<i32>} : memref<4x128xi32, #tpu.memory_space<vmem>>, vector<1x16xi32>,
    %swap3A_367 = vector.shape_cast %swap3A_366 : vector<1x16xi32> to vector<16xi32>
    %swap3A_368 = vector.shape_cast %add3A_362 : vector<16xi32> to vector<1x16xi32>
    tpu.vector_store %arg6[%swap3A_364, %swap3A_365], %swap3A_368 {strides = array<i32>} : memref<4x128xi32, #tpu.memory_space<vmem>>, vector<1x16xi32>,
    %get3A_369 = arith.constant 2 : i32
    %get3A_370 = arith.index_cast %get3A_369 : i32 to index
    %get3A_371 = arith.constant 80 : index
    %get3A_372 = tpu.vector_load %arg5[%get3A_370, %get3A_371] {strides = array<i32>} : memref<4x128xi32, #tpu.memory_space<vmem>>, vector<1x16xi32>,
    %get3A_373 = vector.shape_cast %get3A_372 : vector<1x16xi32> to vector<16xi32>
    %mul3A_374 = arith.constant 4 : i32
    %mul3A_375 = vector.broadcast %mul3A_374 : i32 to vector<16xi32>
    %mul3A_376 = arith.muli %get3A_373, %mul3A_375 : vector<16xi32>
    %add3A_377 = arith.constant 2 : i32
    %add3A_378 = vector.broadcast %add3A_377 : i32 to vector<16xi32>
    %add3A_379 = arith.addi %mul3A_376, %add3A_378 : vector<16xi32>
    %swap3A_380 = arith.constant 2 : i32
    %swap3A_381 = arith.index_cast %swap3A_380 : i32 to index
    %swap3A_382 = arith.constant 80 : index
    %swap3A_383 = tpu.vector_load %arg6[%swap3A_381, %swap3A_382] {strides = array<i32>} : memref<4x128xi32, #tpu.memory_space<vmem>>, vector<1x16xi32>,
    %swap3A_384 = vector.shape_cast %swap3A_383 : vector<1x16xi32> to vector<16xi32>
    %swap3A_385 = vector.shape_cast %add3A_379 : vector<16xi32> to vector<1x16xi32>
    tpu.vector_store %arg6[%swap3A_381, %swap3A_382], %swap3A_385 {strides = array<i32>} : memref<4x128xi32, #tpu.memory_space<vmem>>, vector<1x16xi32>,
    %get3A_386 = arith.constant 2 : i32
    %get3A_387 = arith.index_cast %get3A_386 : i32 to index
    %get3A_388 = arith.constant 96 : index
    %get3A_389 = tpu.vector_load %arg5[%get3A_387, %get3A_388] {strides = array<i32>} : memref<4x128xi32, #tpu.memory_space<vmem>>, vector<1x16xi32>,
    %get3A_390 = vector.shape_cast %get3A_389 : vector<1x16xi32> to vector<16xi32>
    %mul3A_391 = arith.constant 4 : i32
    %mul3A_392 = vector.broadcast %mul3A_391 : i32 to vector<16xi32>
    %mul3A_393 = arith.muli %get3A_390, %mul3A_392 : vector<16xi32>
    %add3A_394 = arith.constant 2 : i32
    %add3A_395 = vector.broadcast %add3A_394 : i32 to vector<16xi32>
    %add3A_396 = arith.addi %mul3A_393, %add3A_395 : vector<16xi32>
    %swap3A_397 = arith.constant 2 : i32
    %swap3A_398 = arith.index_cast %swap3A_397 : i32 to index
    %swap3A_399 = arith.constant 96 : index
    %swap3A_400 = tpu.vector_load %arg6[%swap3A_398, %swap3A_399] {strides = array<i32>} : memref<4x128xi32, #tpu.memory_space<vmem>>, vector<1x16xi32>,
    %swap3A_401 = vector.shape_cast %swap3A_400 : vector<1x16xi32> to vector<16xi32>
    %swap3A_402 = vector.shape_cast %add3A_396 : vector<16xi32> to vector<1x16xi32>
    tpu.vector_store %arg6[%swap3A_398, %swap3A_399], %swap3A_402 {strides = array<i32>} : memref<4x128xi32, #tpu.memory_space<vmem>>, vector<1x16xi32>,
    %get3A_403 = arith.constant 2 : i32
    %get3A_404 = arith.index_cast %get3A_403 : i32 to index
    %get3A_405 = arith.constant 112 : index
    %get3A_406 = tpu.vector_load %arg5[%get3A_404, %get3A_405] {strides = array<i32>} : memref<4x128xi32, #tpu.memory_space<vmem>>, vector<1x16xi32>,
    %get3A_407 = vector.shape_cast %get3A_406 : vector<1x16xi32> to vector<16xi32>
    %mul3A_408 = arith.constant 4 : i32
    %mul3A_409 = vector.broadcast %mul3A_408 : i32 to vector<16xi32>
    %mul3A_410 = arith.muli %get3A_407, %mul3A_409 : vector<16xi32>
    %add3A_411 = arith.constant 2 : i32
    %add3A_412 = vector.broadcast %add3A_411 : i32 to vector<16xi32>
    %add3A_413 = arith.addi %mul3A_410, %add3A_412 : vector<16xi32>
    %swap3A_414 = arith.constant 2 : i32
    %swap3A_415 = arith.index_cast %swap3A_414 : i32 to index
    %swap3A_416 = arith.constant 112 : index
    %swap3A_417 = tpu.vector_load %arg6[%swap3A_415, %swap3A_416] {strides = array<i32>} : memref<4x128xi32, #tpu.memory_space<vmem>>, vector<1x16xi32>,
    %swap3A_418 = vector.shape_cast %swap3A_417 : vector<1x16xi32> to vector<16xi32>
    %swap3A_419 = vector.shape_cast %add3A_413 : vector<16xi32> to vector<1x16xi32>
    tpu.vector_store %arg6[%swap3A_415, %swap3A_416], %swap3A_419 {strides = array<i32>} : memref<4x128xi32, #tpu.memory_space<vmem>>, vector<1x16xi32>,
    %get3A_420 = arith.constant 3 : i32
    %get3A_421 = arith.index_cast %get3A_420 : i32 to index
    %get3A_422 = arith.constant 0 : index
    %get3A_423 = tpu.vector_load %arg5[%get3A_421, %get3A_422] {strides = array<i32>} : memref<4x128xi32, #tpu.memory_space<vmem>>, vector<1x16xi32>,
    %get3A_424 = vector.shape_cast %get3A_423 : vector<1x16xi32> to vector<16xi32>
    %mul3A_425 = arith.constant 4 : i32
    %mul3A_426 = vector.broadcast %mul3A_425 : i32 to vector<16xi32>
    %mul3A_427 = arith.muli %get3A_424, %mul3A_426 : vector<16xi32>
    %add3A_428 = arith.constant 3 : i32
    %add3A_429 = vector.broadcast %add3A_428 : i32 to vector<16xi32>
    %add3A_430 = arith.addi %mul3A_427, %add3A_429 : vector<16xi32>
    %swap3A_431 = arith.constant 3 : i32
    %swap3A_432 = arith.index_cast %swap3A_431 : i32 to index
    %swap3A_433 = arith.constant 0 : index
    %swap3A_434 = tpu.vector_load %arg6[%swap3A_432, %swap3A_433] {strides = array<i32>} : memref<4x128xi32, #tpu.memory_space<vmem>>, vector<1x16xi32>,
    %swap3A_435 = vector.shape_cast %swap3A_434 : vector<1x16xi32> to vector<16xi32>
    %swap3A_436 = vector.shape_cast %add3A_430 : vector<16xi32> to vector<1x16xi32>
    tpu.vector_store %arg6[%swap3A_432, %swap3A_433], %swap3A_436 {strides = array<i32>} : memref<4x128xi32, #tpu.memory_space<vmem>>, vector<1x16xi32>,
    %get3A_437 = arith.constant 3 : i32
    %get3A_438 = arith.index_cast %get3A_437 : i32 to index
    %get3A_439 = arith.constant 16 : index
    %get3A_440 = tpu.vector_load %arg5[%get3A_438, %get3A_439] {strides = array<i32>} : memref<4x128xi32, #tpu.memory_space<vmem>>, vector<1x16xi32>,
    %get3A_441 = vector.shape_cast %get3A_440 : vector<1x16xi32> to vector<16xi32>
    %mul3A_442 = arith.constant 4 : i32
    %mul3A_443 = vector.broadcast %mul3A_442 : i32 to vector<16xi32>
    %mul3A_444 = arith.muli %get3A_441, %mul3A_443 : vector<16xi32>
    %add3A_445 = arith.constant 3 : i32
    %add3A_446 = vector.broadcast %add3A_445 : i32 to vector<16xi32>
    %add3A_447 = arith.addi %mul3A_444, %add3A_446 : vector<16xi32>
    %swap3A_448 = arith.constant 3 : i32
    %swap3A_449 = arith.index_cast %swap3A_448 : i32 to index
    %swap3A_450 = arith.constant 16 : index
    %swap3A_451 = tpu.vector_load %arg6[%swap3A_449, %swap3A_450] {strides = array<i32>} : memref<4x128xi32, #tpu.memory_space<vmem>>, vector<1x16xi32>,
    %swap3A_452 = vector.shape_cast %swap3A_451 : vector<1x16xi32> to vector<16xi32>
    %swap3A_453 = vector.shape_cast %add3A_447 : vector<16xi32> to vector<1x16xi32>
    tpu.vector_store %arg6[%swap3A_449, %swap3A_450], %swap3A_453 {strides = array<i32>} : memref<4x128xi32, #tpu.memory_space<vmem>>, vector<1x16xi32>,
    %get3A_454 = arith.constant 3 : i32
    %get3A_455 = arith.index_cast %get3A_454 : i32 to index
    %get3A_456 = arith.constant 32 : index
    %get3A_457 = tpu.vector_load %arg5[%get3A_455, %get3A_456] {strides = array<i32>} : memref<4x128xi32, #tpu.memory_space<vmem>>, vector<1x16xi32>,
    %get3A_458 = vector.shape_cast %get3A_457 : vector<1x16xi32> to vector<16xi32>
    %mul3A_459 = arith.constant 4 : i32
    %mul3A_460 = vector.broadcast %mul3A_459 : i32 to vector<16xi32>
    %mul3A_461 = arith.muli %get3A_458, %mul3A_460 : vector<16xi32>
    %add3A_462 = arith.constant 3 : i32
    %add3A_463 = vector.broadcast %add3A_462 : i32 to vector<16xi32>
    %add3A_464 = arith.addi %mul3A_461, %add3A_463 : vector<16xi32>
    %swap3A_465 = arith.constant 3 : i32
    %swap3A_466 = arith.index_cast %swap3A_465 : i32 to index
    %swap3A_467 = arith.constant 32 : index
    %swap3A_468 = tpu.vector_load %arg6[%swap3A_466, %swap3A_467] {strides = array<i32>} : memref<4x128xi32, #tpu.memory_space<vmem>>, vector<1x16xi32>,
    %swap3A_469 = vector.shape_cast %swap3A_468 : vector<1x16xi32> to vector<16xi32>
    %swap3A_470 = vector.shape_cast %add3A_464 : vector<16xi32> to vector<1x16xi32>
    tpu.vector_store %arg6[%swap3A_466, %swap3A_467], %swap3A_470 {strides = array<i32>} : memref<4x128xi32, #tpu.memory_space<vmem>>, vector<1x16xi32>,
    %get3A_471 = arith.constant 3 : i32
    %get3A_472 = arith.index_cast %get3A_471 : i32 to index
    %get3A_473 = arith.constant 48 : index
    %get3A_474 = tpu.vector_load %arg5[%get3A_472, %get3A_473] {strides = array<i32>} : memref<4x128xi32, #tpu.memory_space<vmem>>, vector<1x16xi32>,
    %get3A_475 = vector.shape_cast %get3A_474 : vector<1x16xi32> to vector<16xi32>
    %mul3A_476 = arith.constant 4 : i32
    %mul3A_477 = vector.broadcast %mul3A_476 : i32 to vector<16xi32>
    %mul3A_478 = arith.muli %get3A_475, %mul3A_477 : vector<16xi32>
    %add3A_479 = arith.constant 3 : i32
    %add3A_480 = vector.broadcast %add3A_479 : i32 to vector<16xi32>
    %add3A_481 = arith.addi %mul3A_478, %add3A_480 : vector<16xi32>
    %swap3A_482 = arith.constant 3 : i32
    %swap3A_483 = arith.index_cast %swap3A_482 : i32 to index
    %swap3A_484 = arith.constant 48 : index
    %swap3A_485 = tpu.vector_load %arg6[%swap3A_483, %swap3A_484] {strides = array<i32>} : memref<4x128xi32, #tpu.memory_space<vmem>>, vector<1x16xi32>,
    %swap3A_486 = vector.shape_cast %swap3A_485 : vector<1x16xi32> to vector<16xi32>
    %swap3A_487 = vector.shape_cast %add3A_481 : vector<16xi32> to vector<1x16xi32>
    tpu.vector_store %arg6[%swap3A_483, %swap3A_484], %swap3A_487 {strides = array<i32>} : memref<4x128xi32, #tpu.memory_space<vmem>>, vector<1x16xi32>,
    %get3A_488 = arith.constant 3 : i32
    %get3A_489 = arith.index_cast %get3A_488 : i32 to index
    %get3A_490 = arith.constant 64 : index
    %get3A_491 = tpu.vector_load %arg5[%get3A_489, %get3A_490] {strides = array<i32>} : memref<4x128xi32, #tpu.memory_space<vmem>>, vector<1x16xi32>,
    %get3A_492 = vector.shape_cast %get3A_491 : vector<1x16xi32> to vector<16xi32>
    %mul3A_493 = arith.constant 4 : i32
    %mul3A_494 = vector.broadcast %mul3A_493 : i32 to vector<16xi32>
    %mul3A_495 = arith.muli %get3A_492, %mul3A_494 : vector<16xi32>
    %add3A_496 = arith.constant 3 : i32
    %add3A_497 = vector.broadcast %add3A_496 : i32 to vector<16xi32>
    %add3A_498 = arith.addi %mul3A_495, %add3A_497 : vector<16xi32>
    %swap3A_499 = arith.constant 3 : i32
    %swap3A_500 = arith.index_cast %swap3A_499 : i32 to index
    %swap3A_501 = arith.constant 64 : index
    %swap3A_502 = tpu.vector_load %arg6[%swap3A_500, %swap3A_501] {strides = array<i32>} : memref<4x128xi32, #tpu.memory_space<vmem>>, vector<1x16xi32>,
    %swap3A_503 = vector.shape_cast %swap3A_502 : vector<1x16xi32> to vector<16xi32>
    %swap3A_504 = vector.shape_cast %add3A_498 : vector<16xi32> to vector<1x16xi32>
    tpu.vector_store %arg6[%swap3A_500, %swap3A_501], %swap3A_504 {strides = array<i32>} : memref<4x128xi32, #tpu.memory_space<vmem>>, vector<1x16xi32>,
    %get3A_505 = arith.constant 3 : i32
    %get3A_506 = arith.index_cast %get3A_505 : i32 to index
    %get3A_507 = arith.constant 80 : index
    %get3A_508 = tpu.vector_load %arg5[%get3A_506, %get3A_507] {strides = array<i32>} : memref<4x128xi32, #tpu.memory_space<vmem>>, vector<1x16xi32>,
    %get3A_509 = vector.shape_cast %get3A_508 : vector<1x16xi32> to vector<16xi32>
    %mul3A_510 = arith.constant 4 : i32
    %mul3A_511 = vector.broadcast %mul3A_510 : i32 to vector<16xi32>
    %mul3A_512 = arith.muli %get3A_509, %mul3A_511 : vector<16xi32>
    %add3A_513 = arith.constant 3 : i32
    %add3A_514 = vector.broadcast %add3A_513 : i32 to vector<16xi32>
    %add3A_515 = arith.addi %mul3A_512, %add3A_514 : vector<16xi32>
    %swap3A_516 = arith.constant 3 : i32
    %swap3A_517 = arith.index_cast %swap3A_516 : i32 to index
    %swap3A_518 = arith.constant 80 : index
    %swap3A_519 = tpu.vector_load %arg6[%swap3A_517, %swap3A_518] {strides = array<i32>} : memref<4x128xi32, #tpu.memory_space<vmem>>, vector<1x16xi32>,
    %swap3A_520 = vector.shape_cast %swap3A_519 : vector<1x16xi32> to vector<16xi32>
    %swap3A_521 = vector.shape_cast %add3A_515 : vector<16xi32> to vector<1x16xi32>
    tpu.vector_store %arg6[%swap3A_517, %swap3A_518], %swap3A_521 {strides = array<i32>} : memref<4x128xi32, #tpu.memory_space<vmem>>, vector<1x16xi32>,
    %get3A_522 = arith.constant 3 : i32
    %get3A_523 = arith.index_cast %get3A_522 : i32 to index
    %get3A_524 = arith.constant 96 : index
    %get3A_525 = tpu.vector_load %arg5[%get3A_523, %get3A_524] {strides = array<i32>} : memref<4x128xi32, #tpu.memory_space<vmem>>, vector<1x16xi32>,
    %get3A_526 = vector.shape_cast %get3A_525 : vector<1x16xi32> to vector<16xi32>
    %mul3A_527 = arith.constant 4 : i32
    %mul3A_528 = vector.broadcast %mul3A_527 : i32 to vector<16xi32>
    %mul3A_529 = arith.muli %get3A_526, %mul3A_528 : vector<16xi32>
    %add3A_530 = arith.constant 3 : i32
    %add3A_531 = vector.broadcast %add3A_530 : i32 to vector<16xi32>
    %add3A_532 = arith.addi %mul3A_529, %add3A_531 : vector<16xi32>
    %swap3A_533 = arith.constant 3 : i32
    %swap3A_534 = arith.index_cast %swap3A_533 : i32 to index
    %swap3A_535 = arith.constant 96 : index
    %swap3A_536 = tpu.vector_load %arg6[%swap3A_534, %swap3A_535] {strides = array<i32>} : memref<4x128xi32, #tpu.memory_space<vmem>>, vector<1x16xi32>,
    %swap3A_537 = vector.shape_cast %swap3A_536 : vector<1x16xi32> to vector<16xi32>
    %swap3A_538 = vector.shape_cast %add3A_532 : vector<16xi32> to vector<1x16xi32>
    tpu.vector_store %arg6[%swap3A_534, %swap3A_535], %swap3A_538 {strides = array<i32>} : memref<4x128xi32, #tpu.memory_space<vmem>>, vector<1x16xi32>,
    %get3A_539 = arith.constant 3 : i32
    %get3A_540 = arith.index_cast %get3A_539 : i32 to index
    %get3A_541 = arith.constant 112 : index
    %get3A_542 = tpu.vector_load %arg5[%get3A_540, %get3A_541] {strides = array<i32>} : memref<4x128xi32, #tpu.memory_space<vmem>>, vector<1x16xi32>,
    %get3A_543 = vector.shape_cast %get3A_542 : vector<1x16xi32> to vector<16xi32>
    %mul3A_544 = arith.constant 4 : i32
    %mul3A_545 = vector.broadcast %mul3A_544 : i32 to vector<16xi32>
    %mul3A_546 = arith.muli %get3A_543, %mul3A_545 : vector<16xi32>
    %add3A_547 = arith.constant 3 : i32
    %add3A_548 = vector.broadcast %add3A_547 : i32 to vector<16xi32>
    %add3A_549 = arith.addi %mul3A_546, %add3A_548 : vector<16xi32>
    %swap3A_550 = arith.constant 3 : i32
    %swap3A_551 = arith.index_cast %swap3A_550 : i32 to index
    %swap3A_552 = arith.constant 112 : index
    %swap3A_553 = tpu.vector_load %arg6[%swap3A_551, %swap3A_552] {strides = array<i32>} : memref<4x128xi32, #tpu.memory_space<vmem>>, vector<1x16xi32>,
    %swap3A_554 = vector.shape_cast %swap3A_553 : vector<1x16xi32> to vector<16xi32>
    %swap3A_555 = vector.shape_cast %add3A_549 : vector<16xi32> to vector<1x16xi32>
    tpu.vector_store %arg6[%swap3A_551, %swap3A_552], %swap3A_555 {strides = array<i32>} : memref<4x128xi32, #tpu.memory_space<vmem>>, vector<1x16xi32>,
    %dma_start3A = arith.constant 0 : i32
    %dma_start3A_556 = arith.constant 0 : i32
    %dma_start3A_557 = arith.constant 0 : i32
    %dma_start3A_558 = tpu.memref_slice %arg7[%dma_start3A_556, %dma_start3A_557] : memref<512x128xf32, #tpu.memory_space<vmem>> -> memref<128x128xf32, #tpu.memory_space<vmem>>
    %dma_start3A_559 = arith.constant 0 : i32
    %dma_start3A_560 = tpu.memref_slice %arg6[%dma_start3A, %dma_start3A_559] : memref<4x128xi32, #tpu.memory_space<vmem>> -> memref<1x128xi32, #tpu.memory_space<vmem>>
    %dma_start3A_561 = tpu.memref_squeeze %dma_start3A_560 : memref<1x128xi32, #tpu.memory_space<vmem>> -> memref<128xi32, #tpu.memory_space<vmem>>
    %dma_start3A_562 = arith.constant 0 : i32
    %dma_start3A_563 = arith.constant 0 : i32
    %dma_start3A_564 = tpu.memref_slice %arg3[%dma_start3A_562, %dma_start3A_563] : memref<124x128xf32, #tpu.memory_space<hbm>> -> memref<124x128xf32, #tpu.memory_space<hbm>>
    tpu.enqueue_indirect_dma source(%dma_start3A_564 : memref<124x128xf32, #tpu.memory_space<hbm>>) target(%dma_start3A_558 : memref<128x128xf32, #tpu.memory_space<vmem>>) offsets(%dma_start3A_561 : memref<128xi32, #tpu.memory_space<vmem>>) semaphore(%arg9 : memref<!tpu.dma_semaphore, #tpu.memory_space<semaphore_mem>>)
    %dma_start3A_565 = arith.constant 1 : i32
    %dma_start3A_566 = arith.constant 128 : i32
    %dma_start3A_567 = arith.constant 0 : i32
    %dma_start3A_568 = tpu.memref_slice %arg7[%dma_start3A_566, %dma_start3A_567] : memref<512x128xf32, #tpu.memory_space<vmem>> -> memref<128x128xf32, #tpu.memory_space<vmem>>
    %dma_start3A_569 = arith.constant 0 : i32
    %dma_start3A_570 = tpu.memref_slice %arg6[%dma_start3A_565, %dma_start3A_569] : memref<4x128xi32, #tpu.memory_space<vmem>> -> memref<1x128xi32, #tpu.memory_space<vmem>>
    %dma_start3A_571 = tpu.memref_squeeze %dma_start3A_570 : memref<1x128xi32, #tpu.memory_space<vmem>> -> memref<128xi32, #tpu.memory_space<vmem>>
    %dma_start3A_572 = arith.constant 0 : i32
    %dma_start3A_573 = arith.constant 0 : i32
    %dma_start3A_574 = tpu.memref_slice %arg3[%dma_start3A_572, %dma_start3A_573] : memref<124x128xf32, #tpu.memory_space<hbm>> -> memref<124x128xf32, #tpu.memory_space<hbm>>
    tpu.enqueue_indirect_dma source(%dma_start3A_574 : memref<124x128xf32, #tpu.memory_space<hbm>>) target(%dma_start3A_568 : memref<128x128xf32, #tpu.memory_space<vmem>>) offsets(%dma_start3A_571 : memref<128xi32, #tpu.memory_space<vmem>>) semaphore(%arg9 : memref<!tpu.dma_semaphore, #tpu.memory_space<semaphore_mem>>)
    %dma_start3A_575 = arith.constant 2 : i32
    %dma_start3A_576 = arith.constant 256 : i32
    %dma_start3A_577 = arith.constant 0 : i32
    %dma_start3A_578 = tpu.memref_slice %arg7[%dma_start3A_576, %dma_start3A_577] : memref<512x128xf32, #tpu.memory_space<vmem>> -> memref<128x128xf32, #tpu.memory_space<vmem>>
    %dma_start3A_579 = arith.constant 0 : i32
    %dma_start3A_580 = tpu.memref_slice %arg6[%dma_start3A_575, %dma_start3A_579] : memref<4x128xi32, #tpu.memory_space<vmem>> -> memref<1x128xi32, #tpu.memory_space<vmem>>
    %dma_start3A_581 = tpu.memref_squeeze %dma_start3A_580 : memref<1x128xi32, #tpu.memory_space<vmem>> -> memref<128xi32, #tpu.memory_space<vmem>>
    %dma_start3A_582 = arith.constant 0 : i32
    %dma_start3A_583 = arith.constant 0 : i32
    %dma_start3A_584 = tpu.memref_slice %arg3[%dma_start3A_582, %dma_start3A_583] : memref<124x128xf32, #tpu.memory_space<hbm>> -> memref<124x128xf32, #tpu.memory_space<hbm>>
    tpu.enqueue_indirect_dma source(%dma_start3A_584 : memref<124x128xf32, #tpu.memory_space<hbm>>) target(%dma_start3A_578 : memref<128x128xf32, #tpu.memory_space<vmem>>) offsets(%dma_start3A_581 : memref<128xi32, #tpu.memory_space<vmem>>) semaphore(%arg9 : memref<!tpu.dma_semaphore, #tpu.memory_space<semaphore_mem>>)
    %dma_start3A_585 = arith.constant 3 : i32
    %dma_start3A_586 = arith.constant 384 : i32
    %dma_start3A_587 = arith.constant 0 : i32
    %dma_start3A_588 = tpu.memref_slice %arg7[%dma_start3A_586, %dma_start3A_587] : memref<512x128xf32, #tpu.memory_space<vmem>> -> memref<128x128xf32, #tpu.memory_space<vmem>>
    %dma_start3A_589 = arith.constant 0 : i32
    %dma_start3A_590 = tpu.memref_slice %arg6[%dma_start3A_585, %dma_start3A_589] : memref<4x128xi32, #tpu.memory_space<vmem>> -> memref<1x128xi32, #tpu.memory_space<vmem>>
    %dma_start3A_591 = tpu.memref_squeeze %dma_start3A_590 : memref<1x128xi32, #tpu.memory_space<vmem>> -> memref<128xi32, #tpu.memory_space<vmem>>
    %dma_start3A_592 = arith.constant 0 : i32
    %dma_start3A_593 = arith.constant 0 : i32
    %dma_start3A_594 = tpu.memref_slice %arg3[%dma_start3A_592, %dma_start3A_593] : memref<124x128xf32, #tpu.memory_space<hbm>> -> memref<124x128xf32, #tpu.memory_space<hbm>>
    tpu.enqueue_indirect_dma source(%dma_start3A_594 : memref<124x128xf32, #tpu.memory_space<hbm>>) target(%dma_start3A_588 : memref<128x128xf32, #tpu.memory_space<vmem>>) offsets(%dma_start3A_591 : memref<128xi32, #tpu.memory_space<vmem>>) semaphore(%arg9 : memref<!tpu.dma_semaphore, #tpu.memory_space<semaphore_mem>>)
    %dma_wait3A = arith.constant 0 : i32
    %dma_wait3A_595 = arith.constant 0 : i32
    %dma_wait3A_596 = arith.constant 0 : i32
    %dma_wait3A_597 = tpu.memref_slice %arg7[%dma_wait3A_595, %dma_wait3A_596] : memref<512x128xf32, #tpu.memory_space<vmem>> -> memref<128x128xf32, #tpu.memory_space<vmem>>
    %dma_wait3A_598 = arith.constant 0 : i32
    %dma_wait3A_599 = tpu.memref_slice %arg6[%dma_wait3A, %dma_wait3A_598] : memref<4x128xi32, #tpu.memory_space<vmem>> -> memref<1x128xi32, #tpu.memory_space<vmem>>
    %dma_wait3A_600 = tpu.memref_squeeze %dma_wait3A_599 : memref<1x128xi32, #tpu.memory_space<vmem>> -> memref<128xi32, #tpu.memory_space<vmem>>
    %dma_wait3A_601 = arith.constant 0 : i32
    %dma_wait3A_602 = arith.constant 0 : i32
    %dma_wait3A_603 = tpu.memref_slice %arg3[%dma_wait3A_601, %dma_wait3A_602] : memref<124x128xf32, #tpu.memory_space<hbm>> -> memref<124x128xf32, #tpu.memory_space<hbm>>
    tpu.wait_indirect_dma semaphore(%arg9 : memref<!tpu.dma_semaphore, #tpu.memory_space<semaphore_mem>>) src(%dma_wait3A_603 : memref<124x128xf32, #tpu.memory_space<hbm>>) dst(%dma_wait3A_597 : memref<128x128xf32, #tpu.memory_space<vmem>>)
    %dma_wait3A_604 = arith.constant 1 : i32
    %dma_wait3A_605 = arith.constant 128 : i32
    %dma_wait3A_606 = arith.constant 0 : i32
    %dma_wait3A_607 = tpu.memref_slice %arg7[%dma_wait3A_605, %dma_wait3A_606] : memref<512x128xf32, #tpu.memory_space<vmem>> -> memref<128x128xf32, #tpu.memory_space<vmem>>
    %dma_wait3A_608 = arith.constant 0 : i32
    %dma_wait3A_609 = tpu.memref_slice %arg6[%dma_wait3A_604, %dma_wait3A_608] : memref<4x128xi32, #tpu.memory_space<vmem>> -> memref<1x128xi32, #tpu.memory_space<vmem>>
    %dma_wait3A_610 = tpu.memref_squeeze %dma_wait3A_609 : memref<1x128xi32, #tpu.memory_space<vmem>> -> memref<128xi32, #tpu.memory_space<vmem>>
    %dma_wait3A_611 = arith.constant 0 : i32
    %dma_wait3A_612 = arith.constant 0 : i32
    %dma_wait3A_613 = tpu.memref_slice %arg3[%dma_wait3A_611, %dma_wait3A_612] : memref<124x128xf32, #tpu.memory_space<hbm>> -> memref<124x128xf32, #tpu.memory_space<hbm>>
    tpu.wait_indirect_dma semaphore(%arg9 : memref<!tpu.dma_semaphore, #tpu.memory_space<semaphore_mem>>) src(%dma_wait3A_613 : memref<124x128xf32, #tpu.memory_space<hbm>>) dst(%dma_wait3A_607 : memref<128x128xf32, #tpu.memory_space<vmem>>)
    %dma_wait3A_614 = arith.constant 2 : i32
    %dma_wait3A_615 = arith.constant 256 : i32
    %dma_wait3A_616 = arith.constant 0 : i32
    %dma_wait3A_617 = tpu.memref_slice %arg7[%dma_wait3A_615, %dma_wait3A_616] : memref<512x128xf32, #tpu.memory_space<vmem>> -> memref<128x128xf32, #tpu.memory_space<vmem>>
    %dma_wait3A_618 = arith.constant 0 : i32
    %dma_wait3A_619 = tpu.memref_slice %arg6[%dma_wait3A_614, %dma_wait3A_618] : memref<4x128xi32, #tpu.memory_space<vmem>> -> memref<1x128xi32, #tpu.memory_space<vmem>>
    %dma_wait3A_620 = tpu.memref_squeeze %dma_wait3A_619 : memref<1x128xi32, #tpu.memory_space<vmem>> -> memref<128xi32, #tpu.memory_space<vmem>>
    %dma_wait3A_621 = arith.constant 0 : i32
    %dma_wait3A_622 = arith.constant 0 : i32
    %dma_wait3A_623 = tpu.memref_slice %arg3[%dma_wait3A_621, %dma_wait3A_622] : memref<124x128xf32, #tpu.memory_space<hbm>> -> memref<124x128xf32, #tpu.memory_space<hbm>>
    tpu.wait_indirect_dma semaphore(%arg9 : memref<!tpu.dma_semaphore, #tpu.memory_space<semaphore_mem>>) src(%dma_wait3A_623 : memref<124x128xf32, #tpu.memory_space<hbm>>) dst(%dma_wait3A_617 : memref<128x128xf32, #tpu.memory_space<vmem>>)
    %dma_wait3A_624 = arith.constant 3 : i32
    %dma_wait3A_625 = arith.constant 384 : i32
    %dma_wait3A_626 = arith.constant 0 : i32
    %dma_wait3A_627 = tpu.memref_slice %arg7[%dma_wait3A_625, %dma_wait3A_626] : memref<512x128xf32, #tpu.memory_space<vmem>> -> memref<128x128xf32, #tpu.memory_space<vmem>>
    %dma_wait3A_628 = arith.constant 0 : i32
    %dma_wait3A_629 = tpu.memref_slice %arg6[%dma_wait3A_624, %dma_wait3A_628] : memref<4x128xi32, #tpu.memory_space<vmem>> -> memref<1x128xi32, #tpu.memory_space<vmem>>
    %dma_wait3A_630 = tpu.memref_squeeze %dma_wait3A_629 : memref<1x128xi32, #tpu.memory_space<vmem>> -> memref<128xi32, #tpu.memory_space<vmem>>
    %dma_wait3A_631 = arith.constant 0 : i32
    %dma_wait3A_632 = arith.constant 0 : i32
    %dma_wait3A_633 = tpu.memref_slice %arg3[%dma_wait3A_631, %dma_wait3A_632] : memref<124x128xf32, #tpu.memory_space<hbm>> -> memref<124x128xf32, #tpu.memory_space<hbm>>
    tpu.wait_indirect_dma semaphore(%arg9 : memref<!tpu.dma_semaphore, #tpu.memory_space<semaphore_mem>>) src(%dma_wait3A_633 : memref<124x128xf32, #tpu.memory_space<hbm>>) dst(%dma_wait3A_627 : memref<128x128xf32, #tpu.memory_space<vmem>>)
    %scan3A = arith.constant 0 : i32
    %scan3A_634 = arith.constant 0 : i32
    %scan3A_635 = arith.constant 128 : i32
    %scan3A_636 = arith.addi %scan3A_634, %scan3A_635 : i32
    %scan3A_637 = arith.constant 4 : i32
    scf.for %scan3A_639 = %scan3A_634 to %scan3A_636 step %scan3A_637  : i32 {
      %get3A_640 = arith.index_cast %scan3A_639 : i32 to index
      %get3A_641 = arith.constant 0 : index
      %get3A_642 = tpu.vector_load %arg7[%get3A_640, %get3A_641] {strides = array<i32>} : memref<512x128xf32, #tpu.memory_space<vmem>>, vector<1x16xf32>,
      %get3A_643 = vector.shape_cast %get3A_642 : vector<1x16xf32> to vector<16xf32>
      %add3A_644 = arith.constant 128 : i32
      %add3A_645 = arith.addi %add3A_644, %scan3A_639 : i32
      %get3A_646 = arith.index_cast %add3A_645 : i32 to index
      %get3A_647 = arith.constant 0 : index
      %get3A_648 = tpu.vector_load %arg7[%get3A_646, %get3A_647] {strides = array<i32>} : memref<512x128xf32, #tpu.memory_space<vmem>>, vector<1x16xf32>,
      %get3A_649 = vector.shape_cast %get3A_648 : vector<1x16xf32> to vector<16xf32>
      %add3A_650 = arith.addf %get3A_643, %get3A_649 : vector<16xf32>
      %add3A_651 = arith.constant 256 : i32
      %add3A_652 = arith.addi %add3A_651, %scan3A_639 : i32
      %get3A_653 = arith.index_cast %add3A_652 : i32 to index
      %get3A_654 = arith.constant 0 : index
      %get3A_655 = tpu.vector_load %arg7[%get3A_653, %get3A_654] {strides = array<i32>} : memref<512x128xf32, #tpu.memory_space<vmem>>, vector<1x16xf32>,
      %get3A_656 = vector.shape_cast %get3A_655 : vector<1x16xf32> to vector<16xf32>
      %add3A_657 = arith.addf %add3A_650, %get3A_656 : vector<16xf32>
      %add3A_658 = arith.constant 384 : i32
      %add3A_659 = arith.addi %add3A_658, %scan3A_639 : i32
      %get3A_660 = arith.index_cast %add3A_659 : i32 to index
      %get3A_661 = arith.constant 0 : index
      %get3A_662 = tpu.vector_load %arg7[%get3A_660, %get3A_661] {strides = array<i32>} : memref<512x128xf32, #tpu.memory_space<vmem>>, vector<1x16xf32>,
      %get3A_663 = vector.shape_cast %get3A_662 : vector<1x16xf32> to vector<16xf32>
      %add3A_664 = arith.addf %add3A_657, %get3A_663 : vector<16xf32>
      %swap3A_665 = arith.index_cast %scan3A_639 : i32 to index
      %swap3A_666 = arith.constant 0 : index
      %swap3A_667 = tpu.vector_load %arg8[%swap3A_665, %swap3A_666] {strides = array<i32>} : memref<128x128xf32, #tpu.memory_space<vmem>>, vector<1x16xf32>,
      %swap3A_668 = vector.shape_cast %swap3A_667 : vector<1x16xf32> to vector<16xf32>
      %swap3A_669 = vector.shape_cast %add3A_664 : vector<16xf32> to vector<1x16xf32>
      tpu.vector_store %arg8[%swap3A_665, %swap3A_666], %swap3A_669 {strides = array<i32>} : memref<128x128xf32, #tpu.memory_space<vmem>>, vector<1x16xf32>,
      %get3A_670 = arith.index_cast %scan3A_639 : i32 to index
      %get3A_671 = arith.constant 16 : index
      %get3A_672 = tpu.vector_load %arg7[%get3A_670, %get3A_671] {strides = array<i32>} : memref<512x128xf32, #tpu.memory_space<vmem>>, vector<1x16xf32>,
      %get3A_673 = vector.shape_cast %get3A_672 : vector<1x16xf32> to vector<16xf32>
      %add3A_674 = arith.constant 128 : i32
      %add3A_675 = arith.addi %add3A_674, %scan3A_639 : i32
      %get3A_676 = arith.index_cast %add3A_675 : i32 to index
      %get3A_677 = arith.constant 16 : index
      %get3A_678 = tpu.vector_load %arg7[%get3A_676, %get3A_677] {strides = array<i32>} : memref<512x128xf32, #tpu.memory_space<vmem>>, vector<1x16xf32>,
      %get3A_679 = vector.shape_cast %get3A_678 : vector<1x16xf32> to vector<16xf32>
      %add3A_680 = arith.addf %get3A_673, %get3A_679 : vector<16xf32>
      %add3A_681 = arith.constant 256 : i32
      %add3A_682 = arith.addi %add3A_681, %scan3A_639 : i32
      %get3A_683 = arith.index_cast %add3A_682 : i32 to index
      %get3A_684 = arith.constant 16 : index
      %get3A_685 = tpu.vector_load %arg7[%get3A_683, %get3A_684] {strides = array<i32>} : memref<512x128xf32, #tpu.memory_space<vmem>>, vector<1x16xf32>,
      %get3A_686 = vector.shape_cast %get3A_685 : vector<1x16xf32> to vector<16xf32>
      %add3A_687 = arith.addf %add3A_680, %get3A_686 : vector<16xf32>
      %add3A_688 = arith.constant 384 : i32
      %add3A_689 = arith.addi %add3A_688, %scan3A_639 : i32
      %get3A_690 = arith.index_cast %add3A_689 : i32 to index
      %get3A_691 = arith.constant 16 : index
      %get3A_692 = tpu.vector_load %arg7[%get3A_690, %get3A_691] {strides = array<i32>} : memref<512x128xf32, #tpu.memory_space<vmem>>, vector<1x16xf32>,
      %get3A_693 = vector.shape_cast %get3A_692 : vector<1x16xf32> to vector<16xf32>
      %add3A_694 = arith.addf %add3A_687, %get3A_693 : vector<16xf32>
      %swap3A_695 = arith.index_cast %scan3A_639 : i32 to index
      %swap3A_696 = arith.constant 16 : index
      %swap3A_697 = tpu.vector_load %arg8[%swap3A_695, %swap3A_696] {strides = array<i32>} : memref<128x128xf32, #tpu.memory_space<vmem>>, vector<1x16xf32>,
      %swap3A_698 = vector.shape_cast %swap3A_697 : vector<1x16xf32> to vector<16xf32>
      %swap3A_699 = vector.shape_cast %add3A_694 : vector<16xf32> to vector<1x16xf32>
      tpu.vector_store %arg8[%swap3A_695, %swap3A_696], %swap3A_699 {strides = array<i32>} : memref<128x128xf32, #tpu.memory_space<vmem>>, vector<1x16xf32>,
      %get3A_700 = arith.index_cast %scan3A_639 : i32 to index
      %get3A_701 = arith.constant 32 : index
      %get3A_702 = tpu.vector_load %arg7[%get3A_700, %get3A_701] {strides = array<i32>} : memref<512x128xf32, #tpu.memory_space<vmem>>, vector<1x16xf32>,
      %get3A_703 = vector.shape_cast %get3A_702 : vector<1x16xf32> to vector<16xf32>
      %add3A_704 = arith.constant 128 : i32
      %add3A_705 = arith.addi %add3A_704, %scan3A_639 : i32
      %get3A_706 = arith.index_cast %add3A_705 : i32 to index
      %get3A_707 = arith.constant 32 : index
      %get3A_708 = tpu.vector_load %arg7[%get3A_706, %get3A_707] {strides = array<i32>} : memref<512x128xf32, #tpu.memory_space<vmem>>, vector<1x16xf32>,
      %get3A_709 = vector.shape_cast %get3A_708 : vector<1x16xf32> to vector<16xf32>
      %add3A_710 = arith.addf %get3A_703, %get3A_709 : vector<16xf32>
      %add3A_711 = arith.constant 256 : i32
      %add3A_712 = arith.addi %add3A_711, %scan3A_639 : i32
      %get3A_713 = arith.index_cast %add3A_712 : i32 to index
      %get3A_714 = arith.constant 32 : index
      %get3A_715 = tpu.vector_load %arg7[%get3A_713, %get3A_714] {strides = array<i32>} : memref<512x128xf32, #tpu.memory_space<vmem>>, vector<1x16xf32>,
      %get3A_716 = vector.shape_cast %get3A_715 : vector<1x16xf32> to vector<16xf32>
      %add3A_717 = arith.addf %add3A_710, %get3A_716 : vector<16xf32>
      %add3A_718 = arith.constant 384 : i32
      %add3A_719 = arith.addi %add3A_718, %scan3A_639 : i32
      %get3A_720 = arith.index_cast %add3A_719 : i32 to index
      %get3A_721 = arith.constant 32 : index
      %get3A_722 = tpu.vector_load %arg7[%get3A_720, %get3A_721] {strides = array<i32>} : memref<512x128xf32, #tpu.memory_space<vmem>>, vector<1x16xf32>,
      %get3A_723 = vector.shape_cast %get3A_722 : vector<1x16xf32> to vector<16xf32>
      %add3A_724 = arith.addf %add3A_717, %get3A_723 : vector<16xf32>
      %swap3A_725 = arith.index_cast %scan3A_639 : i32 to index
      %swap3A_726 = arith.constant 32 : index
      %swap3A_727 = tpu.vector_load %arg8[%swap3A_725, %swap3A_726] {strides = array<i32>} : memref<128x128xf32, #tpu.memory_space<vmem>>, vector<1x16xf32>,
      %swap3A_728 = vector.shape_cast %swap3A_727 : vector<1x16xf32> to vector<16xf32>
      %swap3A_729 = vector.shape_cast %add3A_724 : vector<16xf32> to vector<1x16xf32>
      tpu.vector_store %arg8[%swap3A_725, %swap3A_726], %swap3A_729 {strides = array<i32>} : memref<128x128xf32, #tpu.memory_space<vmem>>, vector<1x16xf32>,
      %get3A_730 = arith.index_cast %scan3A_639 : i32 to index
      %get3A_731 = arith.constant 48 : index
      %get3A_732 = tpu.vector_load %arg7[%get3A_730, %get3A_731] {strides = array<i32>} : memref<512x128xf32, #tpu.memory_space<vmem>>, vector<1x16xf32>,
      %get3A_733 = vector.shape_cast %get3A_732 : vector<1x16xf32> to vector<16xf32>
      %add3A_734 = arith.constant 128 : i32
      %add3A_735 = arith.addi %add3A_734, %scan3A_639 : i32
      %get3A_736 = arith.index_cast %add3A_735 : i32 to index
      %get3A_737 = arith.constant 48 : index
      %get3A_738 = tpu.vector_load %arg7[%get3A_736, %get3A_737] {strides = array<i32>} : memref<512x128xf32, #tpu.memory_space<vmem>>, vector<1x16xf32>,
      %get3A_739 = vector.shape_cast %get3A_738 : vector<1x16xf32> to vector<16xf32>
      %add3A_740 = arith.addf %get3A_733, %get3A_739 : vector<16xf32>
      %add3A_741 = arith.constant 256 : i32
      %add3A_742 = arith.addi %add3A_741, %scan3A_639 : i32
      %get3A_743 = arith.index_cast %add3A_742 : i32 to index
      %get3A_744 = arith.constant 48 : index
      %get3A_745 = tpu.vector_load %arg7[%get3A_743, %get3A_744] {strides = array<i32>} : memref<512x128xf32, #tpu.memory_space<vmem>>, vector<1x16xf32>,
      %get3A_746 = vector.shape_cast %get3A_745 : vector<1x16xf32> to vector<16xf32>
      %add3A_747 = arith.addf %add3A_740, %get3A_746 : vector<16xf32>
      %add3A_748 = arith.constant 384 : i32
      %add3A_749 = arith.addi %add3A_748, %scan3A_639 : i32
      %get3A_750 = arith.index_cast %add3A_749 : i32 to index
      %get3A_751 = arith.constant 48 : index
      %get3A_752 = tpu.vector_load %arg7[%get3A_750, %get3A_751] {strides = array<i32>} : memref<512x128xf32, #tpu.memory_space<vmem>>, vector<1x16xf32>,
      %get3A_753 = vector.shape_cast %get3A_752 : vector<1x16xf32> to vector<16xf32>
      %add3A_754 = arith.addf %add3A_747, %get3A_753 : vector<16xf32>
      %swap3A_755 = arith.index_cast %scan3A_639 : i32 to index
      %swap3A_756 = arith.constant 48 : index
      %swap3A_757 = tpu.vector_load %arg8[%swap3A_755, %swap3A_756] {strides = array<i32>} : memref<128x128xf32, #tpu.memory_space<vmem>>, vector<1x16xf32>,
      %swap3A_758 = vector.shape_cast %swap3A_757 : vector<1x16xf32> to vector<16xf32>
      %swap3A_759 = vector.shape_cast %add3A_754 : vector<16xf32> to vector<1x16xf32>
      tpu.vector_store %arg8[%swap3A_755, %swap3A_756], %swap3A_759 {strides = array<i32>} : memref<128x128xf32, #tpu.memory_space<vmem>>, vector<1x16xf32>,
      %get3A_760 = arith.index_cast %scan3A_639 : i32 to index
      %get3A_761 = arith.constant 64 : index
      %get3A_762 = tpu.vector_load %arg7[%get3A_760, %get3A_761] {strides = array<i32>} : memref<512x128xf32, #tpu.memory_space<vmem>>, vector<1x16xf32>,
      %get3A_763 = vector.shape_cast %get3A_762 : vector<1x16xf32> to vector<16xf32>
      %add3A_764 = arith.constant 128 : i32
      %add3A_765 = arith.addi %add3A_764, %scan3A_639 : i32
      %get3A_766 = arith.index_cast %add3A_765 : i32 to index
      %get3A_767 = arith.constant 64 : index
      %get3A_768 = tpu.vector_load %arg7[%get3A_766, %get3A_767] {strides = array<i32>} : memref<512x128xf32, #tpu.memory_space<vmem>>, vector<1x16xf32>,
      %get3A_769 = vector.shape_cast %get3A_768 : vector<1x16xf32> to vector<16xf32>
      %add3A_770 = arith.addf %get3A_763, %get3A_769 : vector<16xf32>
      %add3A_771 = arith.constant 256 : i32
      %add3A_772 = arith.addi %add3A_771, %scan3A_639 : i32
      %get3A_773 = arith.index_cast %add3A_772 : i32 to index
      %get3A_774 = arith.constant 64 : index
      %get3A_775 = tpu.vector_load %arg7[%get3A_773, %get3A_774] {strides = array<i32>} : memref<512x128xf32, #tpu.memory_space<vmem>>, vector<1x16xf32>,
      %get3A_776 = vector.shape_cast %get3A_775 : vector<1x16xf32> to vector<16xf32>
      %add3A_777 = arith.addf %add3A_770, %get3A_776 : vector<16xf32>
      %add3A_778 = arith.constant 384 : i32
      %add3A_779 = arith.addi %add3A_778, %scan3A_639 : i32
      %get3A_780 = arith.index_cast %add3A_779 : i32 to index
      %get3A_781 = arith.constant 64 : index
      %get3A_782 = tpu.vector_load %arg7[%get3A_780, %get3A_781] {strides = array<i32>} : memref<512x128xf32, #tpu.memory_space<vmem>>, vector<1x16xf32>,
      %get3A_783 = vector.shape_cast %get3A_782 : vector<1x16xf32> to vector<16xf32>
      %add3A_784 = arith.addf %add3A_777, %get3A_783 : vector<16xf32>
      %swap3A_785 = arith.index_cast %scan3A_639 : i32 to index
      %swap3A_786 = arith.constant 64 : index
      %swap3A_787 = tpu.vector_load %arg8[%swap3A_785, %swap3A_786] {strides = array<i32>} : memref<128x128xf32, #tpu.memory_space<vmem>>, vector<1x16xf32>,
      %swap3A_788 = vector.shape_cast %swap3A_787 : vector<1x16xf32> to vector<16xf32>
      %swap3A_789 = vector.shape_cast %add3A_784 : vector<16xf32> to vector<1x16xf32>
      tpu.vector_store %arg8[%swap3A_785, %swap3A_786], %swap3A_789 {strides = array<i32>} : memref<128x128xf32, #tpu.memory_space<vmem>>, vector<1x16xf32>,
      %get3A_790 = arith.index_cast %scan3A_639 : i32 to index
      %get3A_791 = arith.constant 80 : index
      %get3A_792 = tpu.vector_load %arg7[%get3A_790, %get3A_791] {strides = array<i32>} : memref<512x128xf32, #tpu.memory_space<vmem>>, vector<1x16xf32>,
      %get3A_793 = vector.shape_cast %get3A_792 : vector<1x16xf32> to vector<16xf32>
      %add3A_794 = arith.constant 128 : i32
      %add3A_795 = arith.addi %add3A_794, %scan3A_639 : i32
      %get3A_796 = arith.index_cast %add3A_795 : i32 to index
      %get3A_797 = arith.constant 80 : index
      %get3A_798 = tpu.vector_load %arg7[%get3A_796, %get3A_797] {strides = array<i32>} : memref<512x128xf32, #tpu.memory_space<vmem>>, vector<1x16xf32>,
      %get3A_799 = vector.shape_cast %get3A_798 : vector<1x16xf32> to vector<16xf32>
      %add3A_800 = arith.addf %get3A_793, %get3A_799 : vector<16xf32>
      %add3A_801 = arith.constant 256 : i32
      %add3A_802 = arith.addi %add3A_801, %scan3A_639 : i32
      %get3A_803 = arith.index_cast %add3A_802 : i32 to index
      %get3A_804 = arith.constant 80 : index
      %get3A_805 = tpu.vector_load %arg7[%get3A_803, %get3A_804] {strides = array<i32>} : memref<512x128xf32, #tpu.memory_space<vmem>>, vector<1x16xf32>,
      %get3A_806 = vector.shape_cast %get3A_805 : vector<1x16xf32> to vector<16xf32>
      %add3A_807 = arith.addf %add3A_800, %get3A_806 : vector<16xf32>
      %add3A_808 = arith.constant 384 : i32
      %add3A_809 = arith.addi %add3A_808, %scan3A_639 : i32
      %get3A_810 = arith.index_cast %add3A_809 : i32 to index
      %get3A_811 = arith.constant 80 : index
      %get3A_812 = tpu.vector_load %arg7[%get3A_810, %get3A_811] {strides = array<i32>} : memref<512x128xf32, #tpu.memory_space<vmem>>, vector<1x16xf32>,
      %get3A_813 = vector.shape_cast %get3A_812 : vector<1x16xf32> to vector<16xf32>
      %add3A_814 = arith.addf %add3A_807, %get3A_813 : vector<16xf32>
      %swap3A_815 = arith.index_cast %scan3A_639 : i32 to index
      %swap3A_816 = arith.constant 80 : index
      %swap3A_817 = tpu.vector_load %arg8[%swap3A_815, %swap3A_816] {strides = array<i32>} : memref<128x128xf32, #tpu.memory_space<vmem>>, vector<1x16xf32>,
      %swap3A_818 = vector.shape_cast %swap3A_817 : vector<1x16xf32> to vector<16xf32>
      %swap3A_819 = vector.shape_cast %add3A_814 : vector<16xf32> to vector<1x16xf32>
      tpu.vector_store %arg8[%swap3A_815, %swap3A_816], %swap3A_819 {strides = array<i32>} : memref<128x128xf32, #tpu.memory_space<vmem>>, vector<1x16xf32>,
      %get3A_820 = arith.index_cast %scan3A_639 : i32 to index
      %get3A_821 = arith.constant 96 : index
      %get3A_822 = tpu.vector_load %arg7[%get3A_820, %get3A_821] {strides = array<i32>} : memref<512x128xf32, #tpu.memory_space<vmem>>, vector<1x16xf32>,
      %get3A_823 = vector.shape_cast %get3A_822 : vector<1x16xf32> to vector<16xf32>
      %add3A_824 = arith.constant 128 : i32
      %add3A_825 = arith.addi %add3A_824, %scan3A_639 : i32
      %get3A_826 = arith.index_cast %add3A_825 : i32 to index
      %get3A_827 = arith.constant 96 : index
      %get3A_828 = tpu.vector_load %arg7[%get3A_826, %get3A_827] {strides = array<i32>} : memref<512x128xf32, #tpu.memory_space<vmem>>, vector<1x16xf32>,
      %get3A_829 = vector.shape_cast %get3A_828 : vector<1x16xf32> to vector<16xf32>
      %add3A_830 = arith.addf %get3A_823, %get3A_829 : vector<16xf32>
      %add3A_831 = arith.constant 256 : i32
      %add3A_832 = arith.addi %add3A_831, %scan3A_639 : i32
      %get3A_833 = arith.index_cast %add3A_832 : i32 to index
      %get3A_834 = arith.constant 96 : index
      %get3A_835 = tpu.vector_load %arg7[%get3A_833, %get3A_834] {strides = array<i32>} : memref<512x128xf32, #tpu.memory_space<vmem>>, vector<1x16xf32>,
      %get3A_836 = vector.shape_cast %get3A_835 : vector<1x16xf32> to vector<16xf32>
      %add3A_837 = arith.addf %add3A_830, %get3A_836 : vector<16xf32>
      %add3A_838 = arith.constant 384 : i32
      %add3A_839 = arith.addi %add3A_838, %scan3A_639 : i32
      %get3A_840 = arith.index_cast %add3A_839 : i32 to index
      %get3A_841 = arith.constant 96 : index
      %get3A_842 = tpu.vector_load %arg7[%get3A_840, %get3A_841] {strides = array<i32>} : memref<512x128xf32, #tpu.memory_space<vmem>>, vector<1x16xf32>,
      %get3A_843 = vector.shape_cast %get3A_842 : vector<1x16xf32> to vector<16xf32>
      %add3A_844 = arith.addf %add3A_837, %get3A_843 : vector<16xf32>
      %swap3A_845 = arith.index_cast %scan3A_639 : i32 to index
      %swap3A_846 = arith.constant 96 : index
      %swap3A_847 = tpu.vector_load %arg8[%swap3A_845, %swap3A_846] {strides = array<i32>} : memref<128x128xf32, #tpu.memory_space<vmem>>, vector<1x16xf32>,
      %swap3A_848 = vector.shape_cast %swap3A_847 : vector<1x16xf32> to vector<16xf32>
      %swap3A_849 = vector.shape_cast %add3A_844 : vector<16xf32> to vector<1x16xf32>
      tpu.vector_store %arg8[%swap3A_845, %swap3A_846], %swap3A_849 {strides = array<i32>} : memref<128x128xf32, #tpu.memory_space<vmem>>, vector<1x16xf32>,
      %get3A_850 = arith.index_cast %scan3A_639 : i32 to index
      %get3A_851 = arith.constant 112 : index
      %get3A_852 = tpu.vector_load %arg7[%get3A_850, %get3A_851] {strides = array<i32>} : memref<512x128xf32, #tpu.memory_space<vmem>>, vector<1x16xf32>,
      %get3A_853 = vector.shape_cast %get3A_852 : vector<1x16xf32> to vector<16xf32>
      %add3A_854 = arith.constant 128 : i32
      %add3A_855 = arith.addi %add3A_854, %scan3A_639 : i32
      %get3A_856 = arith.index_cast %add3A_855 : i32 to index
      %get3A_857 = arith.constant 112 : index
      %get3A_858 = tpu.vector_load %arg7[%get3A_856, %get3A_857] {strides = array<i32>} : memref<512x128xf32, #tpu.memory_space<vmem>>, vector<1x16xf32>,
      %get3A_859 = vector.shape_cast %get3A_858 : vector<1x16xf32> to vector<16xf32>
      %add3A_860 = arith.addf %get3A_853, %get3A_859 : vector<16xf32>
      %add3A_861 = arith.constant 256 : i32
      %add3A_862 = arith.addi %add3A_861, %scan3A_639 : i32
      %get3A_863 = arith.index_cast %add3A_862 : i32 to index
      %get3A_864 = arith.constant 112 : index
      %get3A_865 = tpu.vector_load %arg7[%get3A_863, %get3A_864] {strides = array<i32>} : memref<512x128xf32, #tpu.memory_space<vmem>>, vector<1x16xf32>,
      %get3A_866 = vector.shape_cast %get3A_865 : vector<1x16xf32> to vector<16xf32>
      %add3A_867 = arith.addf %add3A_860, %get3A_866 : vector<16xf32>
      %add3A_868 = arith.constant 384 : i32
      %add3A_869 = arith.addi %add3A_868, %scan3A_639 : i32
      %get3A_870 = arith.index_cast %add3A_869 : i32 to index
      %get3A_871 = arith.constant 112 : index
      %get3A_872 = tpu.vector_load %arg7[%get3A_870, %get3A_871] {strides = array<i32>} : memref<512x128xf32, #tpu.memory_space<vmem>>, vector<1x16xf32>,
      %get3A_873 = vector.shape_cast %get3A_872 : vector<1x16xf32> to vector<16xf32>
      %add3A_874 = arith.addf %add3A_867, %get3A_873 : vector<16xf32>
      %swap3A_875 = arith.index_cast %scan3A_639 : i32 to index
      %swap3A_876 = arith.constant 112 : index
      %swap3A_877 = tpu.vector_load %arg8[%swap3A_875, %swap3A_876] {strides = array<i32>} : memref<128x128xf32, #tpu.memory_space<vmem>>, vector<1x16xf32>,
      %swap3A_878 = vector.shape_cast %swap3A_877 : vector<1x16xf32> to vector<16xf32>
      %swap3A_879 = vector.shape_cast %add3A_874 : vector<16xf32> to vector<1x16xf32>
      tpu.vector_store %arg8[%swap3A_875, %swap3A_876], %swap3A_879 {strides = array<i32>} : memref<128x128xf32, #tpu.memory_space<vmem>>, vector<1x16xf32>,
      %scan3A_880 = arith.constant 1 : i32
      %scan3A_881 = arith.addi %scan3A_639, %scan3A_880 : i32
      %get3A_882 = arith.index_cast %scan3A_881 : i32 to index
      %get3A_883 = arith.constant 0 : index
      %get3A_884 = tpu.vector_load %arg7[%get3A_882, %get3A_883] {strides = array<i32>} : memref<512x128xf32, #tpu.memory_space<vmem>>, vector<1x16xf32>,
      %get3A_885 = vector.shape_cast %get3A_884 : vector<1x16xf32> to vector<16xf32>
      %add3A_886 = arith.constant 128 : i32
      %add3A_887 = arith.addi %add3A_886, %scan3A_881 : i32
      %get3A_888 = arith.index_cast %add3A_887 : i32 to index
      %get3A_889 = arith.constant 0 : index
      %get3A_890 = tpu.vector_load %arg7[%get3A_888, %get3A_889] {strides = array<i32>} : memref<512x128xf32, #tpu.memory_space<vmem>>, vector<1x16xf32>,
      %get3A_891 = vector.shape_cast %get3A_890 : vector<1x16xf32> to vector<16xf32>
      %add3A_892 = arith.addf %get3A_885, %get3A_891 : vector<16xf32>
      %add3A_893 = arith.constant 256 : i32
      %add3A_894 = arith.addi %add3A_893, %scan3A_881 : i32
      %get3A_895 = arith.index_cast %add3A_894 : i32 to index
      %get3A_896 = arith.constant 0 : index
      %get3A_897 = tpu.vector_load %arg7[%get3A_895, %get3A_896] {strides = array<i32>} : memref<512x128xf32, #tpu.memory_space<vmem>>, vector<1x16xf32>,
      %get3A_898 = vector.shape_cast %get3A_897 : vector<1x16xf32> to vector<16xf32>
      %add3A_899 = arith.addf %add3A_892, %get3A_898 : vector<16xf32>
      %add3A_900 = arith.constant 384 : i32
      %add3A_901 = arith.addi %add3A_900, %scan3A_881 : i32
      %get3A_902 = arith.index_cast %add3A_901 : i32 to index
      %get3A_903 = arith.constant 0 : index
      %get3A_904 = tpu.vector_load %arg7[%get3A_902, %get3A_903] {strides = array<i32>} : memref<512x128xf32, #tpu.memory_space<vmem>>, vector<1x16xf32>,
      %get3A_905 = vector.shape_cast %get3A_904 : vector<1x16xf32> to vector<16xf32>
      %add3A_906 = arith.addf %add3A_899, %get3A_905 : vector<16xf32>
      %swap3A_907 = arith.index_cast %scan3A_881 : i32 to index
      %swap3A_908 = arith.constant 0 : index
      %swap3A_909 = tpu.vector_load %arg8[%swap3A_907, %swap3A_908] {strides = array<i32>} : memref<128x128xf32, #tpu.memory_space<vmem>>, vector<1x16xf32>,
      %swap3A_910 = vector.shape_cast %swap3A_909 : vector<1x16xf32> to vector<16xf32>
      %swap3A_911 = vector.shape_cast %add3A_906 : vector<16xf32> to vector<1x16xf32>
      tpu.vector_store %arg8[%swap3A_907, %swap3A_908], %swap3A_911 {strides = array<i32>} : memref<128x128xf32, #tpu.memory_space<vmem>>, vector<1x16xf32>,
      %get3A_912 = arith.index_cast %scan3A_881 : i32 to index
      %get3A_913 = arith.constant 16 : index
      %get3A_914 = tpu.vector_load %arg7[%get3A_912, %get3A_913] {strides = array<i32>} : memref<512x128xf32, #tpu.memory_space<vmem>>, vector<1x16xf32>,
      %get3A_915 = vector.shape_cast %get3A_914 : vector<1x16xf32> to vector<16xf32>
      %add3A_916 = arith.constant 128 : i32
      %add3A_917 = arith.addi %add3A_916, %scan3A_881 : i32
      %get3A_918 = arith.index_cast %add3A_917 : i32 to index
      %get3A_919 = arith.constant 16 : index
      %get3A_920 = tpu.vector_load %arg7[%get3A_918, %get3A_919] {strides = array<i32>} : memref<512x128xf32, #tpu.memory_space<vmem>>, vector<1x16xf32>,
      %get3A_921 = vector.shape_cast %get3A_920 : vector<1x16xf32> to vector<16xf32>
      %add3A_922 = arith.addf %get3A_915, %get3A_921 : vector<16xf32>
      %add3A_923 = arith.constant 256 : i32
      %add3A_924 = arith.addi %add3A_923, %scan3A_881 : i32
      %get3A_925 = arith.index_cast %add3A_924 : i32 to index
      %get3A_926 = arith.constant 16 : index
      %get3A_927 = tpu.vector_load %arg7[%get3A_925, %get3A_926] {strides = array<i32>} : memref<512x128xf32, #tpu.memory_space<vmem>>, vector<1x16xf32>,
      %get3A_928 = vector.shape_cast %get3A_927 : vector<1x16xf32> to vector<16xf32>
      %add3A_929 = arith.addf %add3A_922, %get3A_928 : vector<16xf32>
      %add3A_930 = arith.constant 384 : i32
      %add3A_931 = arith.addi %add3A_930, %scan3A_881 : i32
      %get3A_932 = arith.index_cast %add3A_931 : i32 to index
      %get3A_933 = arith.constant 16 : index
      %get3A_934 = tpu.vector_load %arg7[%get3A_932, %get3A_933] {strides = array<i32>} : memref<512x128xf32, #tpu.memory_space<vmem>>, vector<1x16xf32>,
      %get3A_935 = vector.shape_cast %get3A_934 : vector<1x16xf32> to vector<16xf32>
      %add3A_936 = arith.addf %add3A_929, %get3A_935 : vector<16xf32>
      %swap3A_937 = arith.index_cast %scan3A_881 : i32 to index
      %swap3A_938 = arith.constant 16 : index
      %swap3A_939 = tpu.vector_load %arg8[%swap3A_937, %swap3A_938] {strides = array<i32>} : memref<128x128xf32, #tpu.memory_space<vmem>>, vector<1x16xf32>,
      %swap3A_940 = vector.shape_cast %swap3A_939 : vector<1x16xf32> to vector<16xf32>
      %swap3A_941 = vector.shape_cast %add3A_936 : vector<16xf32> to vector<1x16xf32>
      tpu.vector_store %arg8[%swap3A_937, %swap3A_938], %swap3A_941 {strides = array<i32>} : memref<128x128xf32, #tpu.memory_space<vmem>>, vector<1x16xf32>,
      %get3A_942 = arith.index_cast %scan3A_881 : i32 to index
      %get3A_943 = arith.constant 32 : index
      %get3A_944 = tpu.vector_load %arg7[%get3A_942, %get3A_943] {strides = array<i32>} : memref<512x128xf32, #tpu.memory_space<vmem>>, vector<1x16xf32>,
      %get3A_945 = vector.shape_cast %get3A_944 : vector<1x16xf32> to vector<16xf32>
      %add3A_946 = arith.constant 128 : i32
      %add3A_947 = arith.addi %add3A_946, %scan3A_881 : i32
      %get3A_948 = arith.index_cast %add3A_947 : i32 to index
      %get3A_949 = arith.constant 32 : index
      %get3A_950 = tpu.vector_load %arg7[%get3A_948, %get3A_949] {strides = array<i32>} : memref<512x128xf32, #tpu.memory_space<vmem>>, vector<1x16xf32>,
      %get3A_951 = vector.shape_cast %get3A_950 : vector<1x16xf32> to vector<16xf32>
      %add3A_952 = arith.addf %get3A_945, %get3A_951 : vector<16xf32>
      %add3A_953 = arith.constant 256 : i32
      %add3A_954 = arith.addi %add3A_953, %scan3A_881 : i32
      %get3A_955 = arith.index_cast %add3A_954 : i32 to index
      %get3A_956 = arith.constant 32 : index
      %get3A_957 = tpu.vector_load %arg7[%get3A_955, %get3A_956] {strides = array<i32>} : memref<512x128xf32, #tpu.memory_space<vmem>>, vector<1x16xf32>,
      %get3A_958 = vector.shape_cast %get3A_957 : vector<1x16xf32> to vector<16xf32>
      %add3A_959 = arith.addf %add3A_952, %get3A_958 : vector<16xf32>
      %add3A_960 = arith.constant 384 : i32
      %add3A_961 = arith.addi %add3A_960, %scan3A_881 : i32
      %get3A_962 = arith.index_cast %add3A_961 : i32 to index
      %get3A_963 = arith.constant 32 : index
      %get3A_964 = tpu.vector_load %arg7[%get3A_962, %get3A_963] {strides = array<i32>} : memref<512x128xf32, #tpu.memory_space<vmem>>, vector<1x16xf32>,
      %get3A_965 = vector.shape_cast %get3A_964 : vector<1x16xf32> to vector<16xf32>
      %add3A_966 = arith.addf %add3A_959, %get3A_965 : vector<16xf32>
      %swap3A_967 = arith.index_cast %scan3A_881 : i32 to index
      %swap3A_968 = arith.constant 32 : index
      %swap3A_969 = tpu.vector_load %arg8[%swap3A_967, %swap3A_968] {strides = array<i32>} : memref<128x128xf32, #tpu.memory_space<vmem>>, vector<1x16xf32>,
      %swap3A_970 = vector.shape_cast %swap3A_969 : vector<1x16xf32> to vector<16xf32>
      %swap3A_971 = vector.shape_cast %add3A_966 : vector<16xf32> to vector<1x16xf32>
      tpu.vector_store %arg8[%swap3A_967, %swap3A_968], %swap3A_971 {strides = array<i32>} : memref<128x128xf32, #tpu.memory_space<vmem>>, vector<1x16xf32>,
      %get3A_972 = arith.index_cast %scan3A_881 : i32 to index
      %get3A_973 = arith.constant 48 : index
      %get3A_974 = tpu.vector_load %arg7[%get3A_972, %get3A_973] {strides = array<i32>} : memref<512x128xf32, #tpu.memory_space<vmem>>, vector<1x16xf32>,
      %get3A_975 = vector.shape_cast %get3A_974 : vector<1x16xf32> to vector<16xf32>
      %add3A_976 = arith.constant 128 : i32
      %add3A_977 = arith.addi %add3A_976, %scan3A_881 : i32
      %get3A_978 = arith.index_cast %add3A_977 : i32 to index
      %get3A_979 = arith.constant 48 : index
      %get3A_980 = tpu.vector_load %arg7[%get3A_978, %get3A_979] {strides = array<i32>} : memref<512x128xf32, #tpu.memory_space<vmem>>, vector<1x16xf32>,
      %get3A_981 = vector.shape_cast %get3A_980 : vector<1x16xf32> to vector<16xf32>
      %add3A_982 = arith.addf %get3A_975, %get3A_981 : vector<16xf32>
      %add3A_983 = arith.constant 256 : i32
      %add3A_984 = arith.addi %add3A_983, %scan3A_881 : i32
      %get3A_985 = arith.index_cast %add3A_984 : i32 to index
      %get3A_986 = arith.constant 48 : index
      %get3A_987 = tpu.vector_load %arg7[%get3A_985, %get3A_986] {strides = array<i32>} : memref<512x128xf32, #tpu.memory_space<vmem>>, vector<1x16xf32>,
      %get3A_988 = vector.shape_cast %get3A_987 : vector<1x16xf32> to vector<16xf32>
      %add3A_989 = arith.addf %add3A_982, %get3A_988 : vector<16xf32>
      %add3A_990 = arith.constant 384 : i32
      %add3A_991 = arith.addi %add3A_990, %scan3A_881 : i32
      %get3A_992 = arith.index_cast %add3A_991 : i32 to index
      %get3A_993 = arith.constant 48 : index
      %get3A_994 = tpu.vector_load %arg7[%get3A_992, %get3A_993] {strides = array<i32>} : memref<512x128xf32, #tpu.memory_space<vmem>>, vector<1x16xf32>,
      %get3A_995 = vector.shape_cast %get3A_994 : vector<1x16xf32> to vector<16xf32>
      %add3A_996 = arith.addf %add3A_989, %get3A_995 : vector<16xf32>
      %swap3A_997 = arith.index_cast %scan3A_881 : i32 to index
      %swap3A_998 = arith.constant 48 : index
      %swap3A_999 = tpu.vector_load %arg8[%swap3A_997, %swap3A_998] {strides = array<i32>} : memref<128x128xf32, #tpu.memory_space<vmem>>, vector<1x16xf32>,
      %swap3A_1000 = vector.shape_cast %swap3A_999 : vector<1x16xf32> to vector<16xf32>
      %swap3A_1001 = vector.shape_cast %add3A_996 : vector<16xf32> to vector<1x16xf32>
      tpu.vector_store %arg8[%swap3A_997, %swap3A_998], %swap3A_1001 {strides = array<i32>} : memref<128x128xf32, #tpu.memory_space<vmem>>, vector<1x16xf32>,
      %get3A_1002 = arith.index_cast %scan3A_881 : i32 to index
      %get3A_1003 = arith.constant 64 : index
      %get3A_1004 = tpu.vector_load %arg7[%get3A_1002, %get3A_1003] {strides = array<i32>} : memref<512x128xf32, #tpu.memory_space<vmem>>, vector<1x16xf32>,
      %get3A_1005 = vector.shape_cast %get3A_1004 : vector<1x16xf32> to vector<16xf32>
      %add3A_1006 = arith.constant 128 : i32
      %add3A_1007 = arith.addi %add3A_1006, %scan3A_881 : i32
      %get3A_1008 = arith.index_cast %add3A_1007 : i32 to index
      %get3A_1009 = arith.constant 64 : index
      %get3A_1010 = tpu.vector_load %arg7[%get3A_1008, %get3A_1009] {strides = array<i32>} : memref<512x128xf32, #tpu.memory_space<vmem>>, vector<1x16xf32>,
      %get3A_1011 = vector.shape_cast %get3A_1010 : vector<1x16xf32> to vector<16xf32>
      %add3A_1012 = arith.addf %get3A_1005, %get3A_1011 : vector<16xf32>
      %add3A_1013 = arith.constant 256 : i32
      %add3A_1014 = arith.addi %add3A_1013, %scan3A_881 : i32
      %get3A_1015 = arith.index_cast %add3A_1014 : i32 to index
      %get3A_1016 = arith.constant 64 : index
      %get3A_1017 = tpu.vector_load %arg7[%get3A_1015, %get3A_1016] {strides = array<i32>} : memref<512x128xf32, #tpu.memory_space<vmem>>, vector<1x16xf32>,
      %get3A_1018 = vector.shape_cast %get3A_1017 : vector<1x16xf32> to vector<16xf32>
      %add3A_1019 = arith.addf %add3A_1012, %get3A_1018 : vector<16xf32>
      %add3A_1020 = arith.constant 384 : i32
      %add3A_1021 = arith.addi %add3A_1020, %scan3A_881 : i32
      %get3A_1022 = arith.index_cast %add3A_1021 : i32 to index
      %get3A_1023 = arith.constant 64 : index
      %get3A_1024 = tpu.vector_load %arg7[%get3A_1022, %get3A_1023] {strides = array<i32>} : memref<512x128xf32, #tpu.memory_space<vmem>>, vector<1x16xf32>,
      %get3A_1025 = vector.shape_cast %get3A_1024 : vector<1x16xf32> to vector<16xf32>
      %add3A_1026 = arith.addf %add3A_1019, %get3A_1025 : vector<16xf32>
      %swap3A_1027 = arith.index_cast %scan3A_881 : i32 to index
      %swap3A_1028 = arith.constant 64 : index
      %swap3A_1029 = tpu.vector_load %arg8[%swap3A_1027, %swap3A_1028] {strides = array<i32>} : memref<128x128xf32, #tpu.memory_space<vmem>>, vector<1x16xf32>,
      %swap3A_1030 = vector.shape_cast %swap3A_1029 : vector<1x16xf32> to vector<16xf32>
      %swap3A_1031 = vector.shape_cast %add3A_1026 : vector<16xf32> to vector<1x16xf32>
      tpu.vector_store %arg8[%swap3A_1027, %swap3A_1028], %swap3A_1031 {strides = array<i32>} : memref<128x128xf32, #tpu.memory_space<vmem>>, vector<1x16xf32>,
      %get3A_1032 = arith.index_cast %scan3A_881 : i32 to index
      %get3A_1033 = arith.constant 80 : index
      %get3A_1034 = tpu.vector_load %arg7[%get3A_1032, %get3A_1033] {strides = array<i32>} : memref<512x128xf32, #tpu.memory_space<vmem>>, vector<1x16xf32>,
      %get3A_1035 = vector.shape_cast %get3A_1034 : vector<1x16xf32> to vector<16xf32>
      %add3A_1036 = arith.constant 128 : i32
      %add3A_1037 = arith.addi %add3A_1036, %scan3A_881 : i32
      %get3A_1038 = arith.index_cast %add3A_1037 : i32 to index
      %get3A_1039 = arith.constant 80 : index
      %get3A_1040 = tpu.vector_load %arg7[%get3A_1038, %get3A_1039] {strides = array<i32>} : memref<512x128xf32, #tpu.memory_space<vmem>>, vector<1x16xf32>,
      %get3A_1041 = vector.shape_cast %get3A_1040 : vector<1x16xf32> to vector<16xf32>
      %add3A_1042 = arith.addf %get3A_1035, %get3A_1041 : vector<16xf32>
      %add3A_1043 = arith.constant 256 : i32
      %add3A_1044 = arith.addi %add3A_1043, %scan3A_881 : i32
      %get3A_1045 = arith.index_cast %add3A_1044 : i32 to index
      %get3A_1046 = arith.constant 80 : index
      %get3A_1047 = tpu.vector_load %arg7[%get3A_1045, %get3A_1046] {strides = array<i32>} : memref<512x128xf32, #tpu.memory_space<vmem>>, vector<1x16xf32>,
      %get3A_1048 = vector.shape_cast %get3A_1047 : vector<1x16xf32> to vector<16xf32>
      %add3A_1049 = arith.addf %add3A_1042, %get3A_1048 : vector<16xf32>
      %add3A_1050 = arith.constant 384 : i32
      %add3A_1051 = arith.addi %add3A_1050, %scan3A_881 : i32
      %get3A_1052 = arith.index_cast %add3A_1051 : i32 to index
      %get3A_1053 = arith.constant 80 : index
      %get3A_1054 = tpu.vector_load %arg7[%get3A_1052, %get3A_1053] {strides = array<i32>} : memref<512x128xf32, #tpu.memory_space<vmem>>, vector<1x16xf32>,
      %get3A_1055 = vector.shape_cast %get3A_1054 : vector<1x16xf32> to vector<16xf32>
      %add3A_1056 = arith.addf %add3A_1049, %get3A_1055 : vector<16xf32>
      %swap3A_1057 = arith.index_cast %scan3A_881 : i32 to index
      %swap3A_1058 = arith.constant 80 : index
      %swap3A_1059 = tpu.vector_load %arg8[%swap3A_1057, %swap3A_1058] {strides = array<i32>} : memref<128x128xf32, #tpu.memory_space<vmem>>, vector<1x16xf32>,
      %swap3A_1060 = vector.shape_cast %swap3A_1059 : vector<1x16xf32> to vector<16xf32>
      %swap3A_1061 = vector.shape_cast %add3A_1056 : vector<16xf32> to vector<1x16xf32>
      tpu.vector_store %arg8[%swap3A_1057, %swap3A_1058], %swap3A_1061 {strides = array<i32>} : memref<128x128xf32, #tpu.memory_space<vmem>>, vector<1x16xf32>,
      %get3A_1062 = arith.index_cast %scan3A_881 : i32 to index
      %get3A_1063 = arith.constant 96 : index
      %get3A_1064 = tpu.vector_load %arg7[%get3A_1062, %get3A_1063] {strides = array<i32>} : memref<512x128xf32, #tpu.memory_space<vmem>>, vector<1x16xf32>,
      %get3A_1065 = vector.shape_cast %get3A_1064 : vector<1x16xf32> to vector<16xf32>
      %add3A_1066 = arith.constant 128 : i32
      %add3A_1067 = arith.addi %add3A_1066, %scan3A_881 : i32
      %get3A_1068 = arith.index_cast %add3A_1067 : i32 to index
      %get3A_1069 = arith.constant 96 : index
      %get3A_1070 = tpu.vector_load %arg7[%get3A_1068, %get3A_1069] {strides = array<i32>} : memref<512x128xf32, #tpu.memory_space<vmem>>, vector<1x16xf32>,
      %get3A_1071 = vector.shape_cast %get3A_1070 : vector<1x16xf32> to vector<16xf32>
      %add3A_1072 = arith.addf %get3A_1065, %get3A_1071 : vector<16xf32>
      %add3A_1073 = arith.constant 256 : i32
      %add3A_1074 = arith.addi %add3A_1073, %scan3A_881 : i32
      %get3A_1075 = arith.index_cast %add3A_1074 : i32 to index
      %get3A_1076 = arith.constant 96 : index
      %get3A_1077 = tpu.vector_load %arg7[%get3A_1075, %get3A_1076] {strides = array<i32>} : memref<512x128xf32, #tpu.memory_space<vmem>>, vector<1x16xf32>,
      %get3A_1078 = vector.shape_cast %get3A_1077 : vector<1x16xf32> to vector<16xf32>
      %add3A_1079 = arith.addf %add3A_1072, %get3A_1078 : vector<16xf32>
      %add3A_1080 = arith.constant 384 : i32
      %add3A_1081 = arith.addi %add3A_1080, %scan3A_881 : i32
      %get3A_1082 = arith.index_cast %add3A_1081 : i32 to index
      %get3A_1083 = arith.constant 96 : index
      %get3A_1084 = tpu.vector_load %arg7[%get3A_1082, %get3A_1083] {strides = array<i32>} : memref<512x128xf32, #tpu.memory_space<vmem>>, vector<1x16xf32>,
      %get3A_1085 = vector.shape_cast %get3A_1084 : vector<1x16xf32> to vector<16xf32>
      %add3A_1086 = arith.addf %add3A_1079, %get3A_1085 : vector<16xf32>
      %swap3A_1087 = arith.index_cast %scan3A_881 : i32 to index
      %swap3A_1088 = arith.constant 96 : index
      %swap3A_1089 = tpu.vector_load %arg8[%swap3A_1087, %swap3A_1088] {strides = array<i32>} : memref<128x128xf32, #tpu.memory_space<vmem>>, vector<1x16xf32>,
      %swap3A_1090 = vector.shape_cast %swap3A_1089 : vector<1x16xf32> to vector<16xf32>
      %swap3A_1091 = vector.shape_cast %add3A_1086 : vector<16xf32> to vector<1x16xf32>
      tpu.vector_store %arg8[%swap3A_1087, %swap3A_1088], %swap3A_1091 {strides = array<i32>} : memref<128x128xf32, #tpu.memory_space<vmem>>, vector<1x16xf32>,
      %get3A_1092 = arith.index_cast %scan3A_881 : i32 to index
      %get3A_1093 = arith.constant 112 : index
      %get3A_1094 = tpu.vector_load %arg7[%get3A_1092, %get3A_1093] {strides = array<i32>} : memref<512x128xf32, #tpu.memory_space<vmem>>, vector<1x16xf32>,
      %get3A_1095 = vector.shape_cast %get3A_1094 : vector<1x16xf32> to vector<16xf32>
      %add3A_1096 = arith.constant 128 : i32
      %add3A_1097 = arith.addi %add3A_1096, %scan3A_881 : i32
      %get3A_1098 = arith.index_cast %add3A_1097 : i32 to index
      %get3A_1099 = arith.constant 112 : index
      %get3A_1100 = tpu.vector_load %arg7[%get3A_1098, %get3A_1099] {strides = array<i32>} : memref<512x128xf32, #tpu.memory_space<vmem>>, vector<1x16xf32>,
      %get3A_1101 = vector.shape_cast %get3A_1100 : vector<1x16xf32> to vector<16xf32>
      %add3A_1102 = arith.addf %get3A_1095, %get3A_1101 : vector<16xf32>
      %add3A_1103 = arith.constant 256 : i32
      %add3A_1104 = arith.addi %add3A_1103, %scan3A_881 : i32
      %get3A_1105 = arith.index_cast %add3A_1104 : i32 to index
      %get3A_1106 = arith.constant 112 : index
      %get3A_1107 = tpu.vector_load %arg7[%get3A_1105, %get3A_1106] {strides = array<i32>} : memref<512x128xf32, #tpu.memory_space<vmem>>, vector<1x16xf32>,
      %get3A_1108 = vector.shape_cast %get3A_1107 : vector<1x16xf32> to vector<16xf32>
      %add3A_1109 = arith.addf %add3A_1102, %get3A_1108 : vector<16xf32>
      %add3A_1110 = arith.constant 384 : i32
      %add3A_1111 = arith.addi %add3A_1110, %scan3A_881 : i32
      %get3A_1112 = arith.index_cast %add3A_1111 : i32 to index
      %get3A_1113 = arith.constant 112 : index
      %get3A_1114 = tpu.vector_load %arg7[%get3A_1112, %get3A_1113] {strides = array<i32>} : memref<512x128xf32, #tpu.memory_space<vmem>>, vector<1x16xf32>,
      %get3A_1115 = vector.shape_cast %get3A_1114 : vector<1x16xf32> to vector<16xf32>
      %add3A_1116 = arith.addf %add3A_1109, %get3A_1115 : vector<16xf32>
      %swap3A_1117 = arith.index_cast %scan3A_881 : i32 to index
      %swap3A_1118 = arith.constant 112 : index
      %swap3A_1119 = tpu.vector_load %arg8[%swap3A_1117, %swap3A_1118] {strides = array<i32>} : memref<128x128xf32, #tpu.memory_space<vmem>>, vector<1x16xf32>,
      %swap3A_1120 = vector.shape_cast %swap3A_1119 : vector<1x16xf32> to vector<16xf32>
      %swap3A_1121 = vector.shape_cast %add3A_1116 : vector<16xf32> to vector<1x16xf32>
      tpu.vector_store %arg8[%swap3A_1117, %swap3A_1118], %swap3A_1121 {strides = array<i32>} : memref<128x128xf32, #tpu.memory_space<vmem>>, vector<1x16xf32>,
      %scan3A_1122 = arith.constant 2 : i32
      %scan3A_1123 = arith.addi %scan3A_639, %scan3A_1122 : i32
      %get3A_1124 = arith.index_cast %scan3A_1123 : i32 to index
      %get3A_1125 = arith.constant 0 : index
      %get3A_1126 = tpu.vector_load %arg7[%get3A_1124, %get3A_1125] {strides = array<i32>} : memref<512x128xf32, #tpu.memory_space<vmem>>, vector<1x16xf32>,
      %get3A_1127 = vector.shape_cast %get3A_1126 : vector<1x16xf32> to vector<16xf32>
      %add3A_1128 = arith.constant 128 : i32
      %add3A_1129 = arith.addi %add3A_1128, %scan3A_1123 : i32
      %get3A_1130 = arith.index_cast %add3A_1129 : i32 to index
      %get3A_1131 = arith.constant 0 : index
      %get3A_1132 = tpu.vector_load %arg7[%get3A_1130, %get3A_1131] {strides = array<i32>} : memref<512x128xf32, #tpu.memory_space<vmem>>, vector<1x16xf32>,
      %get3A_1133 = vector.shape_cast %get3A_1132 : vector<1x16xf32> to vector<16xf32>
      %add3A_1134 = arith.addf %get3A_1127, %get3A_1133 : vector<16xf32>
      %add3A_1135 = arith.constant 256 : i32
      %add3A_1136 = arith.addi %add3A_1135, %scan3A_1123 : i32
      %get3A_1137 = arith.index_cast %add3A_1136 : i32 to index
      %get3A_1138 = arith.constant 0 : index
      %get3A_1139 = tpu.vector_load %arg7[%get3A_1137, %get3A_1138] {strides = array<i32>} : memref<512x128xf32, #tpu.memory_space<vmem>>, vector<1x16xf32>,
      %get3A_1140 = vector.shape_cast %get3A_1139 : vector<1x16xf32> to vector<16xf32>
      %add3A_1141 = arith.addf %add3A_1134, %get3A_1140 : vector<16xf32>
      %add3A_1142 = arith.constant 384 : i32
      %add3A_1143 = arith.addi %add3A_1142, %scan3A_1123 : i32
      %get3A_1144 = arith.index_cast %add3A_1143 : i32 to index
      %get3A_1145 = arith.constant 0 : index
      %get3A_1146 = tpu.vector_load %arg7[%get3A_1144, %get3A_1145] {strides = array<i32>} : memref<512x128xf32, #tpu.memory_space<vmem>>, vector<1x16xf32>,
      %get3A_1147 = vector.shape_cast %get3A_1146 : vector<1x16xf32> to vector<16xf32>
      %add3A_1148 = arith.addf %add3A_1141, %get3A_1147 : vector<16xf32>
      %swap3A_1149 = arith.index_cast %scan3A_1123 : i32 to index
      %swap3A_1150 = arith.constant 0 : index
      %swap3A_1151 = tpu.vector_load %arg8[%swap3A_1149, %swap3A_1150] {strides = array<i32>} : memref<128x128xf32, #tpu.memory_space<vmem>>, vector<1x16xf32>,
      %swap3A_1152 = vector.shape_cast %swap3A_1151 : vector<1x16xf32> to vector<16xf32>
      %swap3A_1153 = vector.shape_cast %add3A_1148 : vector<16xf32> to vector<1x16xf32>
      tpu.vector_store %arg8[%swap3A_1149, %swap3A_1150], %swap3A_1153 {strides = array<i32>} : memref<128x128xf32, #tpu.memory_space<vmem>>, vector<1x16xf32>,
      %get3A_1154 = arith.index_cast %scan3A_1123 : i32 to index
      %get3A_1155 = arith.constant 16 : index
      %get3A_1156 = tpu.vector_load %arg7[%get3A_1154, %get3A_1155] {strides = array<i32>} : memref<512x128xf32, #tpu.memory_space<vmem>>, vector<1x16xf32>,
      %get3A_1157 = vector.shape_cast %get3A_1156 : vector<1x16xf32> to vector<16xf32>
      %add3A_1158 = arith.constant 128 : i32
      %add3A_1159 = arith.addi %add3A_1158, %scan3A_1123 : i32
      %get3A_1160 = arith.index_cast %add3A_1159 : i32 to index
      %get3A_1161 = arith.constant 16 : index
      %get3A_1162 = tpu.vector_load %arg7[%get3A_1160, %get3A_1161] {strides = array<i32>} : memref<512x128xf32, #tpu.memory_space<vmem>>, vector<1x16xf32>,
      %get3A_1163 = vector.shape_cast %get3A_1162 : vector<1x16xf32> to vector<16xf32>
      %add3A_1164 = arith.addf %get3A_1157, %get3A_1163 : vector<16xf32>
      %add3A_1165 = arith.constant 256 : i32
      %add3A_1166 = arith.addi %add3A_1165, %scan3A_1123 : i32
      %get3A_1167 = arith.index_cast %add3A_1166 : i32 to index
      %get3A_1168 = arith.constant 16 : index
      %get3A_1169 = tpu.vector_load %arg7[%get3A_1167, %get3A_1168] {strides = array<i32>} : memref<512x128xf32, #tpu.memory_space<vmem>>, vector<1x16xf32>,
      %get3A_1170 = vector.shape_cast %get3A_1169 : vector<1x16xf32> to vector<16xf32>
      %add3A_1171 = arith.addf %add3A_1164, %get3A_1170 : vector<16xf32>
      %add3A_1172 = arith.constant 384 : i32
      %add3A_1173 = arith.addi %add3A_1172, %scan3A_1123 : i32
      %get3A_1174 = arith.index_cast %add3A_1173 : i32 to index
      %get3A_1175 = arith.constant 16 : index
      %get3A_1176 = tpu.vector_load %arg7[%get3A_1174, %get3A_1175] {strides = array<i32>} : memref<512x128xf32, #tpu.memory_space<vmem>>, vector<1x16xf32>,
      %get3A_1177 = vector.shape_cast %get3A_1176 : vector<1x16xf32> to vector<16xf32>
      %add3A_1178 = arith.addf %add3A_1171, %get3A_1177 : vector<16xf32>
      %swap3A_1179 = arith.index_cast %scan3A_1123 : i32 to index
      %swap3A_1180 = arith.constant 16 : index
      %swap3A_1181 = tpu.vector_load %arg8[%swap3A_1179, %swap3A_1180] {strides = array<i32>} : memref<128x128xf32, #tpu.memory_space<vmem>>, vector<1x16xf32>,
      %swap3A_1182 = vector.shape_cast %swap3A_1181 : vector<1x16xf32> to vector<16xf32>
      %swap3A_1183 = vector.shape_cast %add3A_1178 : vector<16xf32> to vector<1x16xf32>
      tpu.vector_store %arg8[%swap3A_1179, %swap3A_1180], %swap3A_1183 {strides = array<i32>} : memref<128x128xf32, #tpu.memory_space<vmem>>, vector<1x16xf32>,
      %get3A_1184 = arith.index_cast %scan3A_1123 : i32 to index
      %get3A_1185 = arith.constant 32 : index
      %get3A_1186 = tpu.vector_load %arg7[%get3A_1184, %get3A_1185] {strides = array<i32>} : memref<512x128xf32, #tpu.memory_space<vmem>>, vector<1x16xf32>,
      %get3A_1187 = vector.shape_cast %get3A_1186 : vector<1x16xf32> to vector<16xf32>
      %add3A_1188 = arith.constant 128 : i32
      %add3A_1189 = arith.addi %add3A_1188, %scan3A_1123 : i32
      %get3A_1190 = arith.index_cast %add3A_1189 : i32 to index
      %get3A_1191 = arith.constant 32 : index
      %get3A_1192 = tpu.vector_load %arg7[%get3A_1190, %get3A_1191] {strides = array<i32>} : memref<512x128xf32, #tpu.memory_space<vmem>>, vector<1x16xf32>,
      %get3A_1193 = vector.shape_cast %get3A_1192 : vector<1x16xf32> to vector<16xf32>
      %add3A_1194 = arith.addf %get3A_1187, %get3A_1193 : vector<16xf32>
      %add3A_1195 = arith.constant 256 : i32
      %add3A_1196 = arith.addi %add3A_1195, %scan3A_1123 : i32
      %get3A_1197 = arith.index_cast %add3A_1196 : i32 to index
      %get3A_1198 = arith.constant 32 : index
      %get3A_1199 = tpu.vector_load %arg7[%get3A_1197, %get3A_1198] {strides = array<i32>} : memref<512x128xf32, #tpu.memory_space<vmem>>, vector<1x16xf32>,
      %get3A_1200 = vector.shape_cast %get3A_1199 : vector<1x16xf32> to vector<16xf32>
      %add3A_1201 = arith.addf %add3A_1194, %get3A_1200 : vector<16xf32>
      %add3A_1202 = arith.constant 384 : i32
      %add3A_1203 = arith.addi %add3A_1202, %scan3A_1123 : i32
      %get3A_1204 = arith.index_cast %add3A_1203 : i32 to index
      %get3A_1205 = arith.constant 32 : index
      %get3A_1206 = tpu.vector_load %arg7[%get3A_1204, %get3A_1205] {strides = array<i32>} : memref<512x128xf32, #tpu.memory_space<vmem>>, vector<1x16xf32>,
      %get3A_1207 = vector.shape_cast %get3A_1206 : vector<1x16xf32> to vector<16xf32>
      %add3A_1208 = arith.addf %add3A_1201, %get3A_1207 : vector<16xf32>
      %swap3A_1209 = arith.index_cast %scan3A_1123 : i32 to index
      %swap3A_1210 = arith.constant 32 : index
      %swap3A_1211 = tpu.vector_load %arg8[%swap3A_1209, %swap3A_1210] {strides = array<i32>} : memref<128x128xf32, #tpu.memory_space<vmem>>, vector<1x16xf32>,
      %swap3A_1212 = vector.shape_cast %swap3A_1211 : vector<1x16xf32> to vector<16xf32>
      %swap3A_1213 = vector.shape_cast %add3A_1208 : vector<16xf32> to vector<1x16xf32>
      tpu.vector_store %arg8[%swap3A_1209, %swap3A_1210], %swap3A_1213 {strides = array<i32>} : memref<128x128xf32, #tpu.memory_space<vmem>>, vector<1x16xf32>,
      %get3A_1214 = arith.index_cast %scan3A_1123 : i32 to index
      %get3A_1215 = arith.constant 48 : index
      %get3A_1216 = tpu.vector_load %arg7[%get3A_1214, %get3A_1215] {strides = array<i32>} : memref<512x128xf32, #tpu.memory_space<vmem>>, vector<1x16xf32>,
      %get3A_1217 = vector.shape_cast %get3A_1216 : vector<1x16xf32> to vector<16xf32>
      %add3A_1218 = arith.constant 128 : i32
      %add3A_1219 = arith.addi %add3A_1218, %scan3A_1123 : i32
      %get3A_1220 = arith.index_cast %add3A_1219 : i32 to index
      %get3A_1221 = arith.constant 48 : index
      %get3A_1222 = tpu.vector_load %arg7[%get3A_1220, %get3A_1221] {strides = array<i32>} : memref<512x128xf32, #tpu.memory_space<vmem>>, vector<1x16xf32>,
      %get3A_1223 = vector.shape_cast %get3A_1222 : vector<1x16xf32> to vector<16xf32>
      %add3A_1224 = arith.addf %get3A_1217, %get3A_1223 : vector<16xf32>
      %add3A_1225 = arith.constant 256 : i32
      %add3A_1226 = arith.addi %add3A_1225, %scan3A_1123 : i32
      %get3A_1227 = arith.index_cast %add3A_1226 : i32 to index
      %get3A_1228 = arith.constant 48 : index
      %get3A_1229 = tpu.vector_load %arg7[%get3A_1227, %get3A_1228] {strides = array<i32>} : memref<512x128xf32, #tpu.memory_space<vmem>>, vector<1x16xf32>,
      %get3A_1230 = vector.shape_cast %get3A_1229 : vector<1x16xf32> to vector<16xf32>
      %add3A_1231 = arith.addf %add3A_1224, %get3A_1230 : vector<16xf32>
      %add3A_1232 = arith.constant 384 : i32
      %add3A_1233 = arith.addi %add3A_1232, %scan3A_1123 : i32
      %get3A_1234 = arith.index_cast %add3A_1233 : i32 to index
      %get3A_1235 = arith.constant 48 : index
      %get3A_1236 = tpu.vector_load %arg7[%get3A_1234, %get3A_1235] {strides = array<i32>} : memref<512x128xf32, #tpu.memory_space<vmem>>, vector<1x16xf32>,
      %get3A_1237 = vector.shape_cast %get3A_1236 : vector<1x16xf32> to vector<16xf32>
      %add3A_1238 = arith.addf %add3A_1231, %get3A_1237 : vector<16xf32>
      %swap3A_1239 = arith.index_cast %scan3A_1123 : i32 to index
      %swap3A_1240 = arith.constant 48 : index
      %swap3A_1241 = tpu.vector_load %arg8[%swap3A_1239, %swap3A_1240] {strides = array<i32>} : memref<128x128xf32, #tpu.memory_space<vmem>>, vector<1x16xf32>,
      %swap3A_1242 = vector.shape_cast %swap3A_1241 : vector<1x16xf32> to vector<16xf32>
      %swap3A_1243 = vector.shape_cast %add3A_1238 : vector<16xf32> to vector<1x16xf32>
      tpu.vector_store %arg8[%swap3A_1239, %swap3A_1240], %swap3A_1243 {strides = array<i32>} : memref<128x128xf32, #tpu.memory_space<vmem>>, vector<1x16xf32>,
      %get3A_1244 = arith.index_cast %scan3A_1123 : i32 to index
      %get3A_1245 = arith.constant 64 : index
      %get3A_1246 = tpu.vector_load %arg7[%get3A_1244, %get3A_1245] {strides = array<i32>} : memref<512x128xf32, #tpu.memory_space<vmem>>, vector<1x16xf32>,
      %get3A_1247 = vector.shape_cast %get3A_1246 : vector<1x16xf32> to vector<16xf32>
      %add3A_1248 = arith.constant 128 : i32
      %add3A_1249 = arith.addi %add3A_1248, %scan3A_1123 : i32
      %get3A_1250 = arith.index_cast %add3A_1249 : i32 to index
      %get3A_1251 = arith.constant 64 : index
      %get3A_1252 = tpu.vector_load %arg7[%get3A_1250, %get3A_1251] {strides = array<i32>} : memref<512x128xf32, #tpu.memory_space<vmem>>, vector<1x16xf32>,
      %get3A_1253 = vector.shape_cast %get3A_1252 : vector<1x16xf32> to vector<16xf32>
      %add3A_1254 = arith.addf %get3A_1247, %get3A_1253 : vector<16xf32>
      %add3A_1255 = arith.constant 256 : i32
      %add3A_1256 = arith.addi %add3A_1255, %scan3A_1123 : i32
      %get3A_1257 = arith.index_cast %add3A_1256 : i32 to index
      %get3A_1258 = arith.constant 64 : index
      %get3A_1259 = tpu.vector_load %arg7[%get3A_1257, %get3A_1258] {strides = array<i32>} : memref<512x128xf32, #tpu.memory_space<vmem>>, vector<1x16xf32>,
      %get3A_1260 = vector.shape_cast %get3A_1259 : vector<1x16xf32> to vector<16xf32>
      %add3A_1261 = arith.addf %add3A_1254, %get3A_1260 : vector<16xf32>
      %add3A_1262 = arith.constant 384 : i32
      %add3A_1263 = arith.addi %add3A_1262, %scan3A_1123 : i32
      %get3A_1264 = arith.index_cast %add3A_1263 : i32 to index
      %get3A_1265 = arith.constant 64 : index
      %get3A_1266 = tpu.vector_load %arg7[%get3A_1264, %get3A_1265] {strides = array<i32>} : memref<512x128xf32, #tpu.memory_space<vmem>>, vector<1x16xf32>,
      %get3A_1267 = vector.shape_cast %get3A_1266 : vector<1x16xf32> to vector<16xf32>
      %add3A_1268 = arith.addf %add3A_1261, %get3A_1267 : vector<16xf32>
      %swap3A_1269 = arith.index_cast %scan3A_1123 : i32 to index
      %swap3A_1270 = arith.constant 64 : index
      %swap3A_1271 = tpu.vector_load %arg8[%swap3A_1269, %swap3A_1270] {strides = array<i32>} : memref<128x128xf32, #tpu.memory_space<vmem>>, vector<1x16xf32>,
      %swap3A_1272 = vector.shape_cast %swap3A_1271 : vector<1x16xf32> to vector<16xf32>
      %swap3A_1273 = vector.shape_cast %add3A_1268 : vector<16xf32> to vector<1x16xf32>
      tpu.vector_store %arg8[%swap3A_1269, %swap3A_1270], %swap3A_1273 {strides = array<i32>} : memref<128x128xf32, #tpu.memory_space<vmem>>, vector<1x16xf32>,
      %get3A_1274 = arith.index_cast %scan3A_1123 : i32 to index
      %get3A_1275 = arith.constant 80 : index
      %get3A_1276 = tpu.vector_load %arg7[%get3A_1274, %get3A_1275] {strides = array<i32>} : memref<512x128xf32, #tpu.memory_space<vmem>>, vector<1x16xf32>,
      %get3A_1277 = vector.shape_cast %get3A_1276 : vector<1x16xf32> to vector<16xf32>
      %add3A_1278 = arith.constant 128 : i32
      %add3A_1279 = arith.addi %add3A_1278, %scan3A_1123 : i32
      %get3A_1280 = arith.index_cast %add3A_1279 : i32 to index
      %get3A_1281 = arith.constant 80 : index
      %get3A_1282 = tpu.vector_load %arg7[%get3A_1280, %get3A_1281] {strides = array<i32>} : memref<512x128xf32, #tpu.memory_space<vmem>>, vector<1x16xf32>,
      %get3A_1283 = vector.shape_cast %get3A_1282 : vector<1x16xf32> to vector<16xf32>
      %add3A_1284 = arith.addf %get3A_1277, %get3A_1283 : vector<16xf32>
      %add3A_1285 = arith.constant 256 : i32
      %add3A_1286 = arith.addi %add3A_1285, %scan3A_1123 : i32
      %get3A_1287 = arith.index_cast %add3A_1286 : i32 to index
      %get3A_1288 = arith.constant 80 : index
      %get3A_1289 = tpu.vector_load %arg7[%get3A_1287, %get3A_1288] {strides = array<i32>} : memref<512x128xf32, #tpu.memory_space<vmem>>, vector<1x16xf32>,
      %get3A_1290 = vector.shape_cast %get3A_1289 : vector<1x16xf32> to vector<16xf32>
      %add3A_1291 = arith.addf %add3A_1284, %get3A_1290 : vector<16xf32>
      %add3A_1292 = arith.constant 384 : i32
      %add3A_1293 = arith.addi %add3A_1292, %scan3A_1123 : i32
      %get3A_1294 = arith.index_cast %add3A_1293 : i32 to index
      %get3A_1295 = arith.constant 80 : index
      %get3A_1296 = tpu.vector_load %arg7[%get3A_1294, %get3A_1295] {strides = array<i32>} : memref<512x128xf32, #tpu.memory_space<vmem>>, vector<1x16xf32>,
      %get3A_1297 = vector.shape_cast %get3A_1296 : vector<1x16xf32> to vector<16xf32>
      %add3A_1298 = arith.addf %add3A_1291, %get3A_1297 : vector<16xf32>
      %swap3A_1299 = arith.index_cast %scan3A_1123 : i32 to index
      %swap3A_1300 = arith.constant 80 : index
      %swap3A_1301 = tpu.vector_load %arg8[%swap3A_1299, %swap3A_1300] {strides = array<i32>} : memref<128x128xf32, #tpu.memory_space<vmem>>, vector<1x16xf32>,
      %swap3A_1302 = vector.shape_cast %swap3A_1301 : vector<1x16xf32> to vector<16xf32>
      %swap3A_1303 = vector.shape_cast %add3A_1298 : vector<16xf32> to vector<1x16xf32>
      tpu.vector_store %arg8[%swap3A_1299, %swap3A_1300], %swap3A_1303 {strides = array<i32>} : memref<128x128xf32, #tpu.memory_space<vmem>>, vector<1x16xf32>,
      %get3A_1304 = arith.index_cast %scan3A_1123 : i32 to index
      %get3A_1305 = arith.constant 96 : index
      %get3A_1306 = tpu.vector_load %arg7[%get3A_1304, %get3A_1305] {strides = array<i32>} : memref<512x128xf32, #tpu.memory_space<vmem>>, vector<1x16xf32>,
      %get3A_1307 = vector.shape_cast %get3A_1306 : vector<1x16xf32> to vector<16xf32>
      %add3A_1308 = arith.constant 128 : i32
      %add3A_1309 = arith.addi %add3A_1308, %scan3A_1123 : i32
      %get3A_1310 = arith.index_cast %add3A_1309 : i32 to index
      %get3A_1311 = arith.constant 96 : index
      %get3A_1312 = tpu.vector_load %arg7[%get3A_1310, %get3A_1311] {strides = array<i32>} : memref<512x128xf32, #tpu.memory_space<vmem>>, vector<1x16xf32>,
      %get3A_1313 = vector.shape_cast %get3A_1312 : vector<1x16xf32> to vector<16xf32>
      %add3A_1314 = arith.addf %get3A_1307, %get3A_1313 : vector<16xf32>
      %add3A_1315 = arith.constant 256 : i32
      %add3A_1316 = arith.addi %add3A_1315, %scan3A_1123 : i32
      %get3A_1317 = arith.index_cast %add3A_1316 : i32 to index
      %get3A_1318 = arith.constant 96 : index
      %get3A_1319 = tpu.vector_load %arg7[%get3A_1317, %get3A_1318] {strides = array<i32>} : memref<512x128xf32, #tpu.memory_space<vmem>>, vector<1x16xf32>,
      %get3A_1320 = vector.shape_cast %get3A_1319 : vector<1x16xf32> to vector<16xf32>
      %add3A_1321 = arith.addf %add3A_1314, %get3A_1320 : vector<16xf32>
      %add3A_1322 = arith.constant 384 : i32
      %add3A_1323 = arith.addi %add3A_1322, %scan3A_1123 : i32
      %get3A_1324 = arith.index_cast %add3A_1323 : i32 to index
      %get3A_1325 = arith.constant 96 : index
      %get3A_1326 = tpu.vector_load %arg7[%get3A_1324, %get3A_1325] {strides = array<i32>} : memref<512x128xf32, #tpu.memory_space<vmem>>, vector<1x16xf32>,
      %get3A_1327 = vector.shape_cast %get3A_1326 : vector<1x16xf32> to vector<16xf32>
      %add3A_1328 = arith.addf %add3A_1321, %get3A_1327 : vector<16xf32>
      %swap3A_1329 = arith.index_cast %scan3A_1123 : i32 to index
      %swap3A_1330 = arith.constant 96 : index
      %swap3A_1331 = tpu.vector_load %arg8[%swap3A_1329, %swap3A_1330] {strides = array<i32>} : memref<128x128xf32, #tpu.memory_space<vmem>>, vector<1x16xf32>,
      %swap3A_1332 = vector.shape_cast %swap3A_1331 : vector<1x16xf32> to vector<16xf32>
      %swap3A_1333 = vector.shape_cast %add3A_1328 : vector<16xf32> to vector<1x16xf32>
      tpu.vector_store %arg8[%swap3A_1329, %swap3A_1330], %swap3A_1333 {strides = array<i32>} : memref<128x128xf32, #tpu.memory_space<vmem>>, vector<1x16xf32>,
      %get3A_1334 = arith.index_cast %scan3A_1123 : i32 to index
      %get3A_1335 = arith.constant 112 : index
      %get3A_1336 = tpu.vector_load %arg7[%get3A_1334, %get3A_1335] {strides = array<i32>} : memref<512x128xf32, #tpu.memory_space<vmem>>, vector<1x16xf32>,
      %get3A_1337 = vector.shape_cast %get3A_1336 : vector<1x16xf32> to vector<16xf32>
      %add3A_1338 = arith.constant 128 : i32
      %add3A_1339 = arith.addi %add3A_1338, %scan3A_1123 : i32
      %get3A_1340 = arith.index_cast %add3A_1339 : i32 to index
      %get3A_1341 = arith.constant 112 : index
      %get3A_1342 = tpu.vector_load %arg7[%get3A_1340, %get3A_1341] {strides = array<i32>} : memref<512x128xf32, #tpu.memory_space<vmem>>, vector<1x16xf32>,
      %get3A_1343 = vector.shape_cast %get3A_1342 : vector<1x16xf32> to vector<16xf32>
      %add3A_1344 = arith.addf %get3A_1337, %get3A_1343 : vector<16xf32>
      %add3A_1345 = arith.constant 256 : i32
      %add3A_1346 = arith.addi %add3A_1345, %scan3A_1123 : i32
      %get3A_1347 = arith.index_cast %add3A_1346 : i32 to index
      %get3A_1348 = arith.constant 112 : index
      %get3A_1349 = tpu.vector_load %arg7[%get3A_1347, %get3A_1348] {strides = array<i32>} : memref<512x128xf32, #tpu.memory_space<vmem>>, vector<1x16xf32>,
      %get3A_1350 = vector.shape_cast %get3A_1349 : vector<1x16xf32> to vector<16xf32>
      %add3A_1351 = arith.addf %add3A_1344, %get3A_1350 : vector<16xf32>
      %add3A_1352 = arith.constant 384 : i32
      %add3A_1353 = arith.addi %add3A_1352, %scan3A_1123 : i32
      %get3A_1354 = arith.index_cast %add3A_1353 : i32 to index
      %get3A_1355 = arith.constant 112 : index
      %get3A_1356 = tpu.vector_load %arg7[%get3A_1354, %get3A_1355] {strides = array<i32>} : memref<512x128xf32, #tpu.memory_space<vmem>>, vector<1x16xf32>,
      %get3A_1357 = vector.shape_cast %get3A_1356 : vector<1x16xf32> to vector<16xf32>
      %add3A_1358 = arith.addf %add3A_1351, %get3A_1357 : vector<16xf32>
      %swap3A_1359 = arith.index_cast %scan3A_1123 : i32 to index
      %swap3A_1360 = arith.constant 112 : index
      %swap3A_1361 = tpu.vector_load %arg8[%swap3A_1359, %swap3A_1360] {strides = array<i32>} : memref<128x128xf32, #tpu.memory_space<vmem>>, vector<1x16xf32>,
      %swap3A_1362 = vector.shape_cast %swap3A_1361 : vector<1x16xf32> to vector<16xf32>
      %swap3A_1363 = vector.shape_cast %add3A_1358 : vector<16xf32> to vector<1x16xf32>
      tpu.vector_store %arg8[%swap3A_1359, %swap3A_1360], %swap3A_1363 {strides = array<i32>} : memref<128x128xf32, #tpu.memory_space<vmem>>, vector<1x16xf32>,
      %scan3A_1364 = arith.constant 3 : i32
      %scan3A_1365 = arith.addi %scan3A_639, %scan3A_1364 : i32
      %get3A_1366 = arith.index_cast %scan3A_1365 : i32 to index
      %get3A_1367 = arith.constant 0 : index
      %get3A_1368 = tpu.vector_load %arg7[%get3A_1366, %get3A_1367] {strides = array<i32>} : memref<512x128xf32, #tpu.memory_space<vmem>>, vector<1x16xf32>,
      %get3A_1369 = vector.shape_cast %get3A_1368 : vector<1x16xf32> to vector<16xf32>
      %add3A_1370 = arith.constant 128 : i32
      %add3A_1371 = arith.addi %add3A_1370, %scan3A_1365 : i32
      %get3A_1372 = arith.index_cast %add3A_1371 : i32 to index
      %get3A_1373 = arith.constant 0 : index
      %get3A_1374 = tpu.vector_load %arg7[%get3A_1372, %get3A_1373] {strides = array<i32>} : memref<512x128xf32, #tpu.memory_space<vmem>>, vector<1x16xf32>,
      %get3A_1375 = vector.shape_cast %get3A_1374 : vector<1x16xf32> to vector<16xf32>
      %add3A_1376 = arith.addf %get3A_1369, %get3A_1375 : vector<16xf32>
      %add3A_1377 = arith.constant 256 : i32
      %add3A_1378 = arith.addi %add3A_1377, %scan3A_1365 : i32
      %get3A_1379 = arith.index_cast %add3A_1378 : i32 to index
      %get3A_1380 = arith.constant 0 : index
      %get3A_1381 = tpu.vector_load %arg7[%get3A_1379, %get3A_1380] {strides = array<i32>} : memref<512x128xf32, #tpu.memory_space<vmem>>, vector<1x16xf32>,
      %get3A_1382 = vector.shape_cast %get3A_1381 : vector<1x16xf32> to vector<16xf32>
      %add3A_1383 = arith.addf %add3A_1376, %get3A_1382 : vector<16xf32>
      %add3A_1384 = arith.constant 384 : i32
      %add3A_1385 = arith.addi %add3A_1384, %scan3A_1365 : i32
      %get3A_1386 = arith.index_cast %add3A_1385 : i32 to index
      %get3A_1387 = arith.constant 0 : index
      %get3A_1388 = tpu.vector_load %arg7[%get3A_1386, %get3A_1387] {strides = array<i32>} : memref<512x128xf32, #tpu.memory_space<vmem>>, vector<1x16xf32>,
      %get3A_1389 = vector.shape_cast %get3A_1388 : vector<1x16xf32> to vector<16xf32>
      %add3A_1390 = arith.addf %add3A_1383, %get3A_1389 : vector<16xf32>
      %swap3A_1391 = arith.index_cast %scan3A_1365 : i32 to index
      %swap3A_1392 = arith.constant 0 : index
      %swap3A_1393 = tpu.vector_load %arg8[%swap3A_1391, %swap3A_1392] {strides = array<i32>} : memref<128x128xf32, #tpu.memory_space<vmem>>, vector<1x16xf32>,
      %swap3A_1394 = vector.shape_cast %swap3A_1393 : vector<1x16xf32> to vector<16xf32>
      %swap3A_1395 = vector.shape_cast %add3A_1390 : vector<16xf32> to vector<1x16xf32>
      tpu.vector_store %arg8[%swap3A_1391, %swap3A_1392], %swap3A_1395 {strides = array<i32>} : memref<128x128xf32, #tpu.memory_space<vmem>>, vector<1x16xf32>,
      %get3A_1396 = arith.index_cast %scan3A_1365 : i32 to index
      %get3A_1397 = arith.constant 16 : index
      %get3A_1398 = tpu.vector_load %arg7[%get3A_1396, %get3A_1397] {strides = array<i32>} : memref<512x128xf32, #tpu.memory_space<vmem>>, vector<1x16xf32>,
      %get3A_1399 = vector.shape_cast %get3A_1398 : vector<1x16xf32> to vector<16xf32>
      %add3A_1400 = arith.constant 128 : i32
      %add3A_1401 = arith.addi %add3A_1400, %scan3A_1365 : i32
      %get3A_1402 = arith.index_cast %add3A_1401 : i32 to index
      %get3A_1403 = arith.constant 16 : index
      %get3A_1404 = tpu.vector_load %arg7[%get3A_1402, %get3A_1403] {strides = array<i32>} : memref<512x128xf32, #tpu.memory_space<vmem>>, vector<1x16xf32>,
      %get3A_1405 = vector.shape_cast %get3A_1404 : vector<1x16xf32> to vector<16xf32>
      %add3A_1406 = arith.addf %get3A_1399, %get3A_1405 : vector<16xf32>
      %add3A_1407 = arith.constant 256 : i32
      %add3A_1408 = arith.addi %add3A_1407, %scan3A_1365 : i32
      %get3A_1409 = arith.index_cast %add3A_1408 : i32 to index
      %get3A_1410 = arith.constant 16 : index
      %get3A_1411 = tpu.vector_load %arg7[%get3A_1409, %get3A_1410] {strides = array<i32>} : memref<512x128xf32, #tpu.memory_space<vmem>>, vector<1x16xf32>,
      %get3A_1412 = vector.shape_cast %get3A_1411 : vector<1x16xf32> to vector<16xf32>
      %add3A_1413 = arith.addf %add3A_1406, %get3A_1412 : vector<16xf32>
      %add3A_1414 = arith.constant 384 : i32
      %add3A_1415 = arith.addi %add3A_1414, %scan3A_1365 : i32
      %get3A_1416 = arith.index_cast %add3A_1415 : i32 to index
      %get3A_1417 = arith.constant 16 : index
      %get3A_1418 = tpu.vector_load %arg7[%get3A_1416, %get3A_1417] {strides = array<i32>} : memref<512x128xf32, #tpu.memory_space<vmem>>, vector<1x16xf32>,
      %get3A_1419 = vector.shape_cast %get3A_1418 : vector<1x16xf32> to vector<16xf32>
      %add3A_1420 = arith.addf %add3A_1413, %get3A_1419 : vector<16xf32>
      %swap3A_1421 = arith.index_cast %scan3A_1365 : i32 to index
      %swap3A_1422 = arith.constant 16 : index
      %swap3A_1423 = tpu.vector_load %arg8[%swap3A_1421, %swap3A_1422] {strides = array<i32>} : memref<128x128xf32, #tpu.memory_space<vmem>>, vector<1x16xf32>,
      %swap3A_1424 = vector.shape_cast %swap3A_1423 : vector<1x16xf32> to vector<16xf32>
      %swap3A_1425 = vector.shape_cast %add3A_1420 : vector<16xf32> to vector<1x16xf32>
      tpu.vector_store %arg8[%swap3A_1421, %swap3A_1422], %swap3A_1425 {strides = array<i32>} : memref<128x128xf32, #tpu.memory_space<vmem>>, vector<1x16xf32>,
      %get3A_1426 = arith.index_cast %scan3A_1365 : i32 to index
      %get3A_1427 = arith.constant 32 : index
      %get3A_1428 = tpu.vector_load %arg7[%get3A_1426, %get3A_1427] {strides = array<i32>} : memref<512x128xf32, #tpu.memory_space<vmem>>, vector<1x16xf32>,
      %get3A_1429 = vector.shape_cast %get3A_1428 : vector<1x16xf32> to vector<16xf32>
      %add3A_1430 = arith.constant 128 : i32
      %add3A_1431 = arith.addi %add3A_1430, %scan3A_1365 : i32
      %get3A_1432 = arith.index_cast %add3A_1431 : i32 to index
      %get3A_1433 = arith.constant 32 : index
      %get3A_1434 = tpu.vector_load %arg7[%get3A_1432, %get3A_1433] {strides = array<i32>} : memref<512x128xf32, #tpu.memory_space<vmem>>, vector<1x16xf32>,
      %get3A_1435 = vector.shape_cast %get3A_1434 : vector<1x16xf32> to vector<16xf32>
      %add3A_1436 = arith.addf %get3A_1429, %get3A_1435 : vector<16xf32>
      %add3A_1437 = arith.constant 256 : i32
      %add3A_1438 = arith.addi %add3A_1437, %scan3A_1365 : i32
      %get3A_1439 = arith.index_cast %add3A_1438 : i32 to index
      %get3A_1440 = arith.constant 32 : index
      %get3A_1441 = tpu.vector_load %arg7[%get3A_1439, %get3A_1440] {strides = array<i32>} : memref<512x128xf32, #tpu.memory_space<vmem>>, vector<1x16xf32>,
      %get3A_1442 = vector.shape_cast %get3A_1441 : vector<1x16xf32> to vector<16xf32>
      %add3A_1443 = arith.addf %add3A_1436, %get3A_1442 : vector<16xf32>
      %add3A_1444 = arith.constant 384 : i32
      %add3A_1445 = arith.addi %add3A_1444, %scan3A_1365 : i32
      %get3A_1446 = arith.index_cast %add3A_1445 : i32 to index
      %get3A_1447 = arith.constant 32 : index
      %get3A_1448 = tpu.vector_load %arg7[%get3A_1446, %get3A_1447] {strides = array<i32>} : memref<512x128xf32, #tpu.memory_space<vmem>>, vector<1x16xf32>,
      %get3A_1449 = vector.shape_cast %get3A_1448 : vector<1x16xf32> to vector<16xf32>
      %add3A_1450 = arith.addf %add3A_1443, %get3A_1449 : vector<16xf32>
      %swap3A_1451 = arith.index_cast %scan3A_1365 : i32 to index
      %swap3A_1452 = arith.constant 32 : index
      %swap3A_1453 = tpu.vector_load %arg8[%swap3A_1451, %swap3A_1452] {strides = array<i32>} : memref<128x128xf32, #tpu.memory_space<vmem>>, vector<1x16xf32>,
      %swap3A_1454 = vector.shape_cast %swap3A_1453 : vector<1x16xf32> to vector<16xf32>
      %swap3A_1455 = vector.shape_cast %add3A_1450 : vector<16xf32> to vector<1x16xf32>
      tpu.vector_store %arg8[%swap3A_1451, %swap3A_1452], %swap3A_1455 {strides = array<i32>} : memref<128x128xf32, #tpu.memory_space<vmem>>, vector<1x16xf32>,
      %get3A_1456 = arith.index_cast %scan3A_1365 : i32 to index
      %get3A_1457 = arith.constant 48 : index
      %get3A_1458 = tpu.vector_load %arg7[%get3A_1456, %get3A_1457] {strides = array<i32>} : memref<512x128xf32, #tpu.memory_space<vmem>>, vector<1x16xf32>,
      %get3A_1459 = vector.shape_cast %get3A_1458 : vector<1x16xf32> to vector<16xf32>
      %add3A_1460 = arith.constant 128 : i32
      %add3A_1461 = arith.addi %add3A_1460, %scan3A_1365 : i32
      %get3A_1462 = arith.index_cast %add3A_1461 : i32 to index
      %get3A_1463 = arith.constant 48 : index
      %get3A_1464 = tpu.vector_load %arg7[%get3A_1462, %get3A_1463] {strides = array<i32>} : memref<512x128xf32, #tpu.memory_space<vmem>>, vector<1x16xf32>,
      %get3A_1465 = vector.shape_cast %get3A_1464 : vector<1x16xf32> to vector<16xf32>
      %add3A_1466 = arith.addf %get3A_1459, %get3A_1465 : vector<16xf32>
      %add3A_1467 = arith.constant 256 : i32
      %add3A_1468 = arith.addi %add3A_1467, %scan3A_1365 : i32
      %get3A_1469 = arith.index_cast %add3A_1468 : i32 to index
      %get3A_1470 = arith.constant 48 : index
      %get3A_1471 = tpu.vector_load %arg7[%get3A_1469, %get3A_1470] {strides = array<i32>} : memref<512x128xf32, #tpu.memory_space<vmem>>, vector<1x16xf32>,
      %get3A_1472 = vector.shape_cast %get3A_1471 : vector<1x16xf32> to vector<16xf32>
      %add3A_1473 = arith.addf %add3A_1466, %get3A_1472 : vector<16xf32>
      %add3A_1474 = arith.constant 384 : i32
      %add3A_1475 = arith.addi %add3A_1474, %scan3A_1365 : i32
      %get3A_1476 = arith.index_cast %add3A_1475 : i32 to index
      %get3A_1477 = arith.constant 48 : index
      %get3A_1478 = tpu.vector_load %arg7[%get3A_1476, %get3A_1477] {strides = array<i32>} : memref<512x128xf32, #tpu.memory_space<vmem>>, vector<1x16xf32>,
      %get3A_1479 = vector.shape_cast %get3A_1478 : vector<1x16xf32> to vector<16xf32>
      %add3A_1480 = arith.addf %add3A_1473, %get3A_1479 : vector<16xf32>
      %swap3A_1481 = arith.index_cast %scan3A_1365 : i32 to index
      %swap3A_1482 = arith.constant 48 : index
      %swap3A_1483 = tpu.vector_load %arg8[%swap3A_1481, %swap3A_1482] {strides = array<i32>} : memref<128x128xf32, #tpu.memory_space<vmem>>, vector<1x16xf32>,
      %swap3A_1484 = vector.shape_cast %swap3A_1483 : vector<1x16xf32> to vector<16xf32>
      %swap3A_1485 = vector.shape_cast %add3A_1480 : vector<16xf32> to vector<1x16xf32>
      tpu.vector_store %arg8[%swap3A_1481, %swap3A_1482], %swap3A_1485 {strides = array<i32>} : memref<128x128xf32, #tpu.memory_space<vmem>>, vector<1x16xf32>,
      %get3A_1486 = arith.index_cast %scan3A_1365 : i32 to index
      %get3A_1487 = arith.constant 64 : index
      %get3A_1488 = tpu.vector_load %arg7[%get3A_1486, %get3A_1487] {strides = array<i32>} : memref<512x128xf32, #tpu.memory_space<vmem>>, vector<1x16xf32>,
      %get3A_1489 = vector.shape_cast %get3A_1488 : vector<1x16xf32> to vector<16xf32>
      %add3A_1490 = arith.constant 128 : i32
      %add3A_1491 = arith.addi %add3A_1490, %scan3A_1365 : i32
      %get3A_1492 = arith.index_cast %add3A_1491 : i32 to index
      %get3A_1493 = arith.constant 64 : index
      %get3A_1494 = tpu.vector_load %arg7[%get3A_1492, %get3A_1493] {strides = array<i32>} : memref<512x128xf32, #tpu.memory_space<vmem>>, vector<1x16xf32>,
      %get3A_1495 = vector.shape_cast %get3A_1494 : vector<1x16xf32> to vector<16xf32>
      %add3A_1496 = arith.addf %get3A_1489, %get3A_1495 : vector<16xf32>
      %add3A_1497 = arith.constant 256 : i32
      %add3A_1498 = arith.addi %add3A_1497, %scan3A_1365 : i32
      %get3A_1499 = arith.index_cast %add3A_1498 : i32 to index
      %get3A_1500 = arith.constant 64 : index
      %get3A_1501 = tpu.vector_load %arg7[%get3A_1499, %get3A_1500] {strides = array<i32>} : memref<512x128xf32, #tpu.memory_space<vmem>>, vector<1x16xf32>,
      %get3A_1502 = vector.shape_cast %get3A_1501 : vector<1x16xf32> to vector<16xf32>
      %add3A_1503 = arith.addf %add3A_1496, %get3A_1502 : vector<16xf32>
      %add3A_1504 = arith.constant 384 : i32
      %add3A_1505 = arith.addi %add3A_1504, %scan3A_1365 : i32
      %get3A_1506 = arith.index_cast %add3A_1505 : i32 to index
      %get3A_1507 = arith.constant 64 : index
      %get3A_1508 = tpu.vector_load %arg7[%get3A_1506, %get3A_1507] {strides = array<i32>} : memref<512x128xf32, #tpu.memory_space<vmem>>, vector<1x16xf32>,
      %get3A_1509 = vector.shape_cast %get3A_1508 : vector<1x16xf32> to vector<16xf32>
      %add3A_1510 = arith.addf %add3A_1503, %get3A_1509 : vector<16xf32>
      %swap3A_1511 = arith.index_cast %scan3A_1365 : i32 to index
      %swap3A_1512 = arith.constant 64 : index
      %swap3A_1513 = tpu.vector_load %arg8[%swap3A_1511, %swap3A_1512] {strides = array<i32>} : memref<128x128xf32, #tpu.memory_space<vmem>>, vector<1x16xf32>,
      %swap3A_1514 = vector.shape_cast %swap3A_1513 : vector<1x16xf32> to vector<16xf32>
      %swap3A_1515 = vector.shape_cast %add3A_1510 : vector<16xf32> to vector<1x16xf32>
      tpu.vector_store %arg8[%swap3A_1511, %swap3A_1512], %swap3A_1515 {strides = array<i32>} : memref<128x128xf32, #tpu.memory_space<vmem>>, vector<1x16xf32>,
      %get3A_1516 = arith.index_cast %scan3A_1365 : i32 to index
      %get3A_1517 = arith.constant 80 : index
      %get3A_1518 = tpu.vector_load %arg7[%get3A_1516, %get3A_1517] {strides = array<i32>} : memref<512x128xf32, #tpu.memory_space<vmem>>, vector<1x16xf32>,
      %get3A_1519 = vector.shape_cast %get3A_1518 : vector<1x16xf32> to vector<16xf32>
      %add3A_1520 = arith.constant 128 : i32
      %add3A_1521 = arith.addi %add3A_1520, %scan3A_1365 : i32
      %get3A_1522 = arith.index_cast %add3A_1521 : i32 to index
      %get3A_1523 = arith.constant 80 : index
      %get3A_1524 = tpu.vector_load %arg7[%get3A_1522, %get3A_1523] {strides = array<i32>} : memref<512x128xf32, #tpu.memory_space<vmem>>, vector<1x16xf32>,
      %get3A_1525 = vector.shape_cast %get3A_1524 : vector<1x16xf32> to vector<16xf32>
      %add3A_1526 = arith.addf %get3A_1519, %get3A_1525 : vector<16xf32>
      %add3A_1527 = arith.constant 256 : i32
      %add3A_1528 = arith.addi %add3A_1527, %scan3A_1365 : i32
      %get3A_1529 = arith.index_cast %add3A_1528 : i32 to index
      %get3A_1530 = arith.constant 80 : index
      %get3A_1531 = tpu.vector_load %arg7[%get3A_1529, %get3A_1530] {strides = array<i32>} : memref<512x128xf32, #tpu.memory_space<vmem>>, vector<1x16xf32>,
      %get3A_1532 = vector.shape_cast %get3A_1531 : vector<1x16xf32> to vector<16xf32>
      %add3A_1533 = arith.addf %add3A_1526, %get3A_1532 : vector<16xf32>
      %add3A_1534 = arith.constant 384 : i32
      %add3A_1535 = arith.addi %add3A_1534, %scan3A_1365 : i32
      %get3A_1536 = arith.index_cast %add3A_1535 : i32 to index
      %get3A_1537 = arith.constant 80 : index
      %get3A_1538 = tpu.vector_load %arg7[%get3A_1536, %get3A_1537] {strides = array<i32>} : memref<512x128xf32, #tpu.memory_space<vmem>>, vector<1x16xf32>,
      %get3A_1539 = vector.shape_cast %get3A_1538 : vector<1x16xf32> to vector<16xf32>
      %add3A_1540 = arith.addf %add3A_1533, %get3A_1539 : vector<16xf32>
      %swap3A_1541 = arith.index_cast %scan3A_1365 : i32 to index
      %swap3A_1542 = arith.constant 80 : index
      %swap3A_1543 = tpu.vector_load %arg8[%swap3A_1541, %swap3A_1542] {strides = array<i32>} : memref<128x128xf32, #tpu.memory_space<vmem>>, vector<1x16xf32>,
      %swap3A_1544 = vector.shape_cast %swap3A_1543 : vector<1x16xf32> to vector<16xf32>
      %swap3A_1545 = vector.shape_cast %add3A_1540 : vector<16xf32> to vector<1x16xf32>
      tpu.vector_store %arg8[%swap3A_1541, %swap3A_1542], %swap3A_1545 {strides = array<i32>} : memref<128x128xf32, #tpu.memory_space<vmem>>, vector<1x16xf32>,
      %get3A_1546 = arith.index_cast %scan3A_1365 : i32 to index
      %get3A_1547 = arith.constant 96 : index
      %get3A_1548 = tpu.vector_load %arg7[%get3A_1546, %get3A_1547] {strides = array<i32>} : memref<512x128xf32, #tpu.memory_space<vmem>>, vector<1x16xf32>,
      %get3A_1549 = vector.shape_cast %get3A_1548 : vector<1x16xf32> to vector<16xf32>
      %add3A_1550 = arith.constant 128 : i32
      %add3A_1551 = arith.addi %add3A_1550, %scan3A_1365 : i32
      %get3A_1552 = arith.index_cast %add3A_1551 : i32 to index
      %get3A_1553 = arith.constant 96 : index
      %get3A_1554 = tpu.vector_load %arg7[%get3A_1552, %get3A_1553] {strides = array<i32>} : memref<512x128xf32, #tpu.memory_space<vmem>>, vector<1x16xf32>,
      %get3A_1555 = vector.shape_cast %get3A_1554 : vector<1x16xf32> to vector<16xf32>
      %add3A_1556 = arith.addf %get3A_1549, %get3A_1555 : vector<16xf32>
      %add3A_1557 = arith.constant 256 : i32
      %add3A_1558 = arith.addi %add3A_1557, %scan3A_1365 : i32
      %get3A_1559 = arith.index_cast %add3A_1558 : i32 to index
      %get3A_1560 = arith.constant 96 : index
      %get3A_1561 = tpu.vector_load %arg7[%get3A_1559, %get3A_1560] {strides = array<i32>} : memref<512x128xf32, #tpu.memory_space<vmem>>, vector<1x16xf32>,
      %get3A_1562 = vector.shape_cast %get3A_1561 : vector<1x16xf32> to vector<16xf32>
      %add3A_1563 = arith.addf %add3A_1556, %get3A_1562 : vector<16xf32>
      %add3A_1564 = arith.constant 384 : i32
      %add3A_1565 = arith.addi %add3A_1564, %scan3A_1365 : i32
      %get3A_1566 = arith.index_cast %add3A_1565 : i32 to index
      %get3A_1567 = arith.constant 96 : index
      %get3A_1568 = tpu.vector_load %arg7[%get3A_1566, %get3A_1567] {strides = array<i32>} : memref<512x128xf32, #tpu.memory_space<vmem>>, vector<1x16xf32>,
      %get3A_1569 = vector.shape_cast %get3A_1568 : vector<1x16xf32> to vector<16xf32>
      %add3A_1570 = arith.addf %add3A_1563, %get3A_1569 : vector<16xf32>
      %swap3A_1571 = arith.index_cast %scan3A_1365 : i32 to index
      %swap3A_1572 = arith.constant 96 : index
      %swap3A_1573 = tpu.vector_load %arg8[%swap3A_1571, %swap3A_1572] {strides = array<i32>} : memref<128x128xf32, #tpu.memory_space<vmem>>, vector<1x16xf32>,
      %swap3A_1574 = vector.shape_cast %swap3A_1573 : vector<1x16xf32> to vector<16xf32>
      %swap3A_1575 = vector.shape_cast %add3A_1570 : vector<16xf32> to vector<1x16xf32>
      tpu.vector_store %arg8[%swap3A_1571, %swap3A_1572], %swap3A_1575 {strides = array<i32>} : memref<128x128xf32, #tpu.memory_space<vmem>>, vector<1x16xf32>,
      %get3A_1576 = arith.index_cast %scan3A_1365 : i32 to index
      %get3A_1577 = arith.constant 112 : index
      %get3A_1578 = tpu.vector_load %arg7[%get3A_1576, %get3A_1577] {strides = array<i32>} : memref<512x128xf32, #tpu.memory_space<vmem>>, vector<1x16xf32>,
      %get3A_1579 = vector.shape_cast %get3A_1578 : vector<1x16xf32> to vector<16xf32>
      %add3A_1580 = arith.constant 128 : i32
      %add3A_1581 = arith.addi %add3A_1580, %scan3A_1365 : i32
      %get3A_1582 = arith.index_cast %add3A_1581 : i32 to index
      %get3A_1583 = arith.constant 112 : index
      %get3A_1584 = tpu.vector_load %arg7[%get3A_1582, %get3A_1583] {strides = array<i32>} : memref<512x128xf32, #tpu.memory_space<vmem>>, vector<1x16xf32>,
      %get3A_1585 = vector.shape_cast %get3A_1584 : vector<1x16xf32> to vector<16xf32>
      %add3A_1586 = arith.addf %get3A_1579, %get3A_1585 : vector<16xf32>
      %add3A_1587 = arith.constant 256 : i32
      %add3A_1588 = arith.addi %add3A_1587, %scan3A_1365 : i32
      %get3A_1589 = arith.index_cast %add3A_1588 : i32 to index
      %get3A_1590 = arith.constant 112 : index
      %get3A_1591 = tpu.vector_load %arg7[%get3A_1589, %get3A_1590] {strides = array<i32>} : memref<512x128xf32, #tpu.memory_space<vmem>>, vector<1x16xf32>,
      %get3A_1592 = vector.shape_cast %get3A_1591 : vector<1x16xf32> to vector<16xf32>
      %add3A_1593 = arith.addf %add3A_1586, %get3A_1592 : vector<16xf32>
      %add3A_1594 = arith.constant 384 : i32
      %add3A_1595 = arith.addi %add3A_1594, %scan3A_1365 : i32
      %get3A_1596 = arith.index_cast %add3A_1595 : i32 to index
      %get3A_1597 = arith.constant 112 : index
      %get3A_1598 = tpu.vector_load %arg7[%get3A_1596, %get3A_1597] {strides = array<i32>} : memref<512x128xf32, #tpu.memory_space<vmem>>, vector<1x16xf32>,
      %get3A_1599 = vector.shape_cast %get3A_1598 : vector<1x16xf32> to vector<16xf32>
      %add3A_1600 = arith.addf %add3A_1593, %get3A_1599 : vector<16xf32>
      %swap3A_1601 = arith.index_cast %scan3A_1365 : i32 to index
      %swap3A_1602 = arith.constant 112 : index
      %swap3A_1603 = tpu.vector_load %arg8[%swap3A_1601, %swap3A_1602] {strides = array<i32>} : memref<128x128xf32, #tpu.memory_space<vmem>>, vector<1x16xf32>,
      %swap3A_1604 = vector.shape_cast %swap3A_1603 : vector<1x16xf32> to vector<16xf32>
      %swap3A_1605 = vector.shape_cast %add3A_1600 : vector<16xf32> to vector<1x16xf32>
      tpu.vector_store %arg8[%swap3A_1601, %swap3A_1602], %swap3A_1605 {strides = array<i32>} : memref<128x128xf32, #tpu.memory_space<vmem>>, vector<1x16xf32>,
    }
    %scan3A_638 = arith.constant 128 : i32
    "tpu.region"() ({
      %run_scoped3A_639 = tpu.sem_alloc : memref<!tpu.dma_semaphore, #tpu.memory_space<semaphore_mem>>
      %dma_start3A_640 = arith.constant 0 : i32
      %dma_start3A_641 = tpu.memref_slice %arg4[%mul3A_2, %dma_start3A_640] : memref<4096x128xf32, #tpu.memory_space<hbm>> -> memref<128x128xf32, #tpu.memory_space<hbm>>
      %dma_start3A_642 = arith.constant 0 : i32
      %dma_start3A_643 = tpu.memref_slice %arg4[%mul3A_2, %dma_start3A_642] : memref<4096x128xf32, #tpu.memory_space<hbm>> -> memref<128x128xf32, #tpu.memory_space<hbm>>
      tpu.enqueue_dma source(%arg8 : memref<128x128xf32, #tpu.memory_space<vmem>>) target(%dma_start3A_643 : memref<128x128xf32, #tpu.memory_space<hbm>>) target_semaphore(%run_scoped3A_639 : memref<!tpu.dma_semaphore, #tpu.memory_space<semaphore_mem>>)
      %dma_wait3A_644 = arith.constant 0 : i32
      %dma_wait3A_645 = tpu.memref_slice %arg4[%mul3A_2, %dma_wait3A_644] : memref<4096x128xf32, #tpu.memory_space<hbm>> -> memref<128x128xf32, #tpu.memory_space<hbm>>
      %dma_wait3A_646 = arith.constant 0 : i32
      %dma_wait3A_647 = tpu.memref_slice %arg4[%mul3A_2, %dma_wait3A_646] : memref<4096x128xf32, #tpu.memory_space<hbm>> -> memref<128x128xf32, #tpu.memory_space<hbm>>
      tpu.wait_dma2 semaphore(%run_scoped3A_639 : memref<!tpu.dma_semaphore, #tpu.memory_space<semaphore_mem>>) src(%arg8 : memref<128x128xf32, #tpu.memory_space<vmem>>) dst(%dma_wait3A_647 : memref<128x128xf32, #tpu.memory_space<hbm>>)
      tpu.yield
    }) : () -> ()
    return
  }
}

module attributes {stable_mosaic.version = 14 : i64} {
  func.func @_enc_body(%arg0: i32, %arg1: memref<3x20480xf32, #tpu.memory_space<vmem>>, %arg2: memref<3x128xf32, #tpu.memory_space<vmem>>, %arg3: memref<20480x128xf32, #tpu.memory_space<vmem>>) attributes {dimension_semantics = [#tpu.dimension_semantics<arbitrary>], iteration_bounds = array<i64: 10>, scalar_prefetch = 0 : i64, scratch_operands = 0 : i64, tpu.core_type = #tpu.core_type<tc>, window_params = [{transform_indices = @transform_0, window_bounds = array<i64: 3, 20480>}, {pipeline_mode = #tpu.pipeline_mode<synchronous>, transform_indices = @transform_1, window_bounds = array<i64: 3, 128>}, {transform_indices = @transform_2, window_bounds = array<i64: 20480, 128>}]} {
    %get3A = arith.constant 0 : index
    %get3A_0 = arith.constant 0 : index
    %get3A_1 = vector.load %arg1[%get3A, %get3A_0] : memref<3x20480xf32, #tpu.memory_space<vmem>>, vector<3x20480xf32>
    %get3A_2 = arith.constant 0 : index
    %get3A_3 = arith.constant 0 : index
    %get3A_4 = vector.load %arg2[%get3A_2, %get3A_3] : memref<3x128xf32, #tpu.memory_space<vmem>>, vector<3x128xf32>
    %dot_general3A = arith.constant dense<0.000000e+00> : vector<20480x128xf32>
    %dot_general3A_5 = tpu.matmul %get3A_1, %get3A_4, %dot_general3A {dimension_numbers = #tpu.dot_dimension_numbers<[0], [0], [1], [1], [0, 1, 1, 1], [], []>, transpose_lhs_hint = false} : vector<3x20480xf32>, vector<3x128xf32>, vector<20480x128xf32> -> vector<20480x128xf32>
    %add3A = arith.constant 5.000000e-01 : f32
    %add3A_6 = vector.broadcast %add3A : f32 to vector<20480x128xf32>
    %add3A_7 = arith.addf %dot_general3A_5, %add3A_6 : vector<20480x128xf32>
    %floor3A = math.floor %add3A_7 : vector<20480x128xf32>
    %sub3A = arith.subf %dot_general3A_5, %floor3A : vector<20480x128xf32>
    %mul3A = arith.mulf %sub3A, %sub3A : vector<20480x128xf32>
    %mul3A_8 = arith.constant -57.1161728 : f32
    %mul3A_9 = vector.broadcast %mul3A_8 : f32 to vector<20480x128xf32>
    %mul3A_10 = arith.mulf %mul3A, %mul3A_9 : vector<20480x128xf32>
    %add3A_11 = arith.constant 78.3271179 : f32
    %add3A_12 = vector.broadcast %add3A_11 : f32 to vector<20480x128xf32>
    %add3A_13 = arith.addf %add3A_12, %mul3A_10 : vector<20480x128xf32>
    %mul3A_14 = arith.mulf %mul3A, %add3A_13 : vector<20480x128xf32>
    %add3A_15 = arith.constant -41.136261 : f32
    %add3A_16 = vector.broadcast %add3A_15 : f32 to vector<20480x128xf32>
    %add3A_17 = arith.addf %add3A_16, %mul3A_14 : vector<20480x128xf32>
    %mul3A_18 = arith.mulf %mul3A, %add3A_17 : vector<20480x128xf32>
    %add3A_19 = arith.constant 6.27973079 : f32
    %add3A_20 = vector.broadcast %add3A_19 : f32 to vector<20480x128xf32>
    %add3A_21 = arith.addf %add3A_20, %mul3A_18 : vector<20480x128xf32>
    %mul3A_22 = arith.mulf %sub3A, %add3A_21 : vector<20480x128xf32>
    %swap3A = arith.constant 0 : index
    %swap3A_23 = arith.constant 0 : index
    %swap3A_24 = vector.load %arg3[%swap3A, %swap3A_23] : memref<20480x128xf32, #tpu.memory_space<vmem>>, vector<20480x128xf32>
    tpu.vector_store %arg3[%swap3A, %swap3A_23], %mul3A_22 {strides = array<i32>} : memref<20480x128xf32, #tpu.memory_space<vmem>>, vector<20480x128xf32>,
    return
  }
  func.func @transform_0(%arg0: i32) -> (i32, i32) {
    %c0_i32 = arith.constant 0 : i32
    %c0_i32_0 = arith.constant 0 : i32
    return %c0_i32, %arg0 : i32, i32
  }
  func.func @transform_1(%arg0: i32) -> (i32, i32) {
    %c0_i32 = arith.constant 0 : i32
    %c0_i32_0 = arith.constant 0 : i32
    %c0_i32_1 = arith.constant 0 : i32
    return %c0_i32, %c0_i32_0 : i32, i32
  }
  func.func @transform_2(%arg0: i32) -> (i32, i32) {
    %c0_i32 = arith.constant 0 : i32
    %c0_i32_0 = arith.constant 0 : i32
    return %arg0, %c0_i32 : i32, i32
  }
}

</mosaic_0001>

<sc_bundles>
// kernel: kernel.4.cloned.1.call-start
scs
__scs_entry_jumppad:
0x0: {  	(pc) =	sbr.rel $0x88, $3  }
0x1: {  	(tag) =	ssettag $0x0;
	lr =	simm.s32 $0x1  }
0x2: {  	[smem:$0x3F9D] =	sst lr;
	_ =	strace $0xD0000000  }
0x3: {  	_ = 	snop  }
0x4: {  	_ = 	snop  }
0x5: {  	_ = 	snop  }
0x6: {  	_ = 	snop  }
0x7: {  	_ = 	snop  }
__scs_overlays_trampoline_lowered:
0x8: {  	[smem:$0x3FAC] =	sst s0  }
0x9: {  	[smem:$0x3FAD] =	sst s1  }
0xa: {  	[smem:$0x3FAE] =	sst s2  }
0xb: {  	[smem:$0x3FAF] =	sst s3  }
0xc: {  	[smem:$0x3FB0] =	sst s4  }
0xd: {  	[smem:$0x3FB1] =	sst s5  }
0xe: {  	[smem:$0x3FB2] =	sst s6  }
0xf: {  	[smem:$0x3FB3] =	sst s7  }
0x10: {  	[smem:$0x3FB4] =	sst s8  }
0x11: {  	[smem:$0x3FB5] =	sst s9;
	s0 =	simm.s32 @!p0 $0x0  }
0x12: {  	s1 =	sld [smem:$0x3F9B];
	s0 =	simm.s32 @p0 $0x1  }
0x13: {  	[smem:$0x3FB6] =	sst s0;
	s0 =	simm.s32 @!p1 $0x0  }
0x14: {  	s2 =	sld [smem:$0x3F9A];
	s0 =	simm.s32 @p1 $0x1  }
0x15: {  	[smem:$0x3FB7] =	sst s0;
	s0 =	simm.s32 @!p2 $0x0  }
0x16: {  	s3 =	sld [smem:$0x3FDB];
	s0 =	simm.s32 @p2 $0x1  }
0x17: {  	s4 =	simm.s32 $0x1BF5;
	[smem:$0x3FB9] =	sst s0  }
0x18: {  	s0 =	sld [smem:$0x3F9C];
	_ =	swait.ge [sflag:s4], $0x0  }
0x19: {  	s7 =	sld [smem:$0x3F9D]  }
0x1a: {  	s8 =	sadd.s32 $0xFFFFE003, lr  }
0x1b: {  	s9 =	sadd.s32 $0xFFFFFEF7, lr;
	s5 =	simm.s32 $0xFFFFFFFF;
	p2 =	slt.u32 s8, $0xFFFFF086  }
0x1c: {  	p1 =	slt.u32 s9, $0xF7A;
	s5 =	simm.s32 @!p2 $0x0  }
0x1d: {  	s5 =	simm.s32 @p1 $0x1;
	p0 =	seq.s32 s7, s2  }
0x1e: {  	s7 =	smul.u32 @!p0 $0xF7A, s2;
	p2 =	seq.s32 @!p0 s5, $0x0  }
0x1f: {  	s9 =	smul.u32 $0xF7A, s1;
	s8 =	simm.s32 @!p0 $0x1BF5;
	p2 =	por !p2, p0  }
0x20: {  	[sflag:s8] =	ssyncset.s32 @!p0 $0xFFFFF086;
	s6 =	sadd.s32 @!p0 s3, s7;
	s7 =	simm.s32 @!p0 $0x108  }
0x21: {  	s3 =	sadd.s32 s3, s9;
	s6 =	sadd.s32 @!p0 $0x88, s6;
	s7 =	simm.s32 @p2 $0x1082  }
0x22: {  	[simem:s7], [sflag:s8] =	dma.local @!p0 [hbm:s6], $0xF7A  }
0x23: {  	s9 =	sor.u32 $0xD0000000, s2;
	s6 =	simm.s32 $0x108;
	_ =	swait.ge @!p0 [sflag:s8], $0x0  }
0x24: {  	s3 =	sadd.s32 $0x88, s3;
	s6 =	simm.s32 @!p1 $0x1082;
	[sflag:s4] =	ssyncset.s32 $0xFFFFF086  }
0x25: {  	[simem:s6], [sflag:s4] =	dma.local [hbm:s3], $0xF7A  }
0x26: {  	[smem:$0x3F9D] =	sst s1;
	(tag) =	ssettag s2;
	_ =	strace s9  }
0x27: {  	s1 =	sld [smem:$0x3FAD]  }
0x28: {  	s2 =	sld [smem:$0x3FAE]  }
0x29: {  	s4 =	sld [smem:$0x3FB0]  }
0x2a: {  	p0 =	seq.s32 s5, $0x0;
	s5 =	sld [smem:$0x3FB1]  }
0x2b: {  	s6 =	sld [smem:$0x3FB2]  }
0x2c: {  	s7 =	sld [smem:$0x3FB3]  }
0x2d: {  	s3 =	simm.s32 $0x108;
	s8 =	sld [smem:$0x3FB4]  }
0x2e: {  	s3 =	simm.s32 @!p0 $0x1082;
	s9 =	sld [smem:$0x3FB5]  }
0x2f: {  	lr =	sadd.s32 s0, s3;
	s0 =	sld [smem:$0x3FAC]  }
0x30: {  	s3 =	sld [smem:$0x3FAF]  }
0x31: {  	[smem:$0x3FB8] =	sst s10  }
0x32: {  	s10 =	sld [smem:$0x3FB6];
	_ =	sdelay $0x3  }
0x33: {  	p0 =	seq.s32 s10, $0x1;
	s10 =	sld [smem:$0x3FB8];
	_ =	sdelay $0x3  }
0x34: {  	[smem:$0x3FB8] =	sst s10  }
0x35: {  	s10 =	sld [smem:$0x3FB7];
	_ =	sdelay $0x3  }
0x36: {  	p1 =	seq.s32 s10, $0x1;
	s10 =	sld [smem:$0x3FB8];
	_ =	sdelay $0x3  }
0x37: {  	[smem:$0x3FB8] =	sst s10  }
0x38: {  	s10 =	sld [smem:$0x3FB9]  }
0x39: {  	_ = 	snop;
	(pc) =	sbr.ind lr, $3  }
0x3a: {  	_ = 	snop  }
0x3b: {  	_ = 	snop  }
0x3c: {  	p2 =	seq.s32 s10, $0x1;
	s10 =	sld [smem:$0x3FB8]  }
0x3d: {  	_ =	shalt  }
0x3e: {  	_ =	shalt  }
0x3f: {  	_ =	shalt  }
0x40: {  	_ =	shalt  }
0x41: {  	_ =	shalt  }
0x42: {  	_ =	shalt  }
0x43: {  	_ =	shalt  }
0x44: {  	_ =	shalt  }
0x45: {  	_ =	shalt  }
0x46: {  	_ =	shalt  }
0x47: {  	_ =	shalt  }
0x48: {  	_ =	shalt  }
0x49: {  	_ =	shalt  }
0x4a: {  	_ =	shalt  }
0x4b: {  	_ =	shalt  }
0x4c: {  	_ =	shalt  }
0x4d: {  	_ =	shalt  }
0x4e: {  	_ =	shalt  }
0x4f: {  	_ =	shalt  }
0x50: {  	_ =	shalt  }
0x51: {  	_ =	shalt  }
0x52: {  	_ =	shalt  }
0x53: {  	_ =	shalt  }
0x54: {  	_ =	shalt  }
0x55: {  	_ =	shalt  }
0x56: {  	_ =	shalt  }
0x57: {  	_ =	shalt  }
0x58: {  	_ =	shalt  }
0x59: {  	_ =	shalt  }
0x5a: {  	_ =	shalt  }
0x5b: {  	_ =	shalt  }
0x5c: {  	_ =	shalt  }
0x5d: {  	_ =	shalt  }
0x5e: {  	_ =	shalt  }
0x5f: {  	_ =	shalt  }
0x60: {  	_ =	shalt  }
0x61: {  	_ =	shalt  }
0x62: {  	_ =	shalt  }
0x63: {  	_ =	shalt  }
0x64: {  	_ =	shalt  }
0x65: {  	_ =	shalt  }
0x66: {  	_ =	shalt  }
0x67: {  	_ =	shalt  }
0x68: {  	_ =	shalt  }
0x69: {  	_ =	shalt  }
0x6a: {  	_ =	shalt  }
0x6b: {  	_ =	shalt  }
0x6c: {  	_ =	shalt  }
0x6d: {  	_ =	shalt  }
0x6e: {  	_ =	shalt  }
0x6f: {  	_ =	shalt  }
0x70: {  	_ =	shalt  }
0x71: {  	_ =	shalt  }
0x72: {  	_ =	shalt  }
0x73: {  	_ =	shalt  }
0x74: {  	_ =	shalt  }
0x75: {  	_ =	shalt  }
0x76: {  	_ =	shalt  }
0x77: {  	_ =	shalt  }
0x78: {  	_ =	shalt  }
0x79: {  	_ =	shalt  }
0x7a: {  	_ =	shalt  }
0x7b: {  	_ =	shalt  }
0x7c: {  	_ =	shalt  }
0x7d: {  	_ =	shalt  }
0x7e: {  	_ =	shalt  }
0x7f: {  	_ =	shalt  }
0x80: {  	_ =	shalt  }
0x81: {  	_ =	shalt  }
0x82: {  	_ =	shalt  }
0x83: {  	_ =	shalt  }
0x84: {  	_ =	shalt  }
0x85: {  	_ =	shalt  }
0x86: {  	_ =	shalt  }
0x87: {  	_ =	shalt  }
.Lfunc_end0:
.L_simem_size_0:
called_computation_lowered:
.L_overlay_start_0:
0x88: {  	s2 =	sld [smem:$0x3FD9]  }
0x89: {  	s3 =	sld [smem:$0x3FFE];
	_ =	sdelay $0x1  }
0x8a: {  	s1 =	srdreg.scid  }
0x8b: {  	s0 =	sand.u32 $0x1, s1  }
0x8c: {  	s14 =	sshll.u32 s0, $0xA;
	s2 =	sadd.s32 s3, s2  }
0x8d: {  	s2 =	sadd.s32 s2, s14  }
0x8e: {  	[smem:$0x3FC4] =	sst s2  }
0x8f: {  	_ = 	snop  }
0x90: {  	s2 =	sld [smem:$0x3FD0];
	_ =	sdelay $0x2  }
0x91: {  	s15 =	simm.s32 $0xA;
	s4 =	simm.s32 $0x10  }
0x92: {  	[smem:s4], [sflag:s15] =	dma.local [hbm:s2], $0x1  }
0x93: {  	_ =	swait.eq [sflag:s15], $0x1  }
0x94: {  	[sflag:s15] =	ssyncset.done $0x0  }
0x95: {  	[sflag:s15] =	ssyncadd.s32 $0xFFFFFFFF  }
0x96: {  	s16 =	sld [smem:$0x11];
	(tm) =	ssettm $0x1  }
0x97: {  	s17 =	sld [smem:$0x3FFB];
	_ =	sdelay $0x3  }
0x98: {  	_ =	strace s17  }
0x99: {  	s3 =	sld [smem:$0x3FFC];
	_ =	sdelay $0x3  }
0x9a: {  	_ =	strace s3  }
0x9b: {  	s3 =	sld [smem:$0x3FFD];
	_ =	sdelay $0x3  }
0x9c: {  	_ =	strace s3  }
0x9d: {  	_ =	strace $0x8FFFFFFF  }
0x9e: {  	s18 =	sld [smem:$0x3FDB];
	_ =	sdelay $0x1  }
0x9f: {  	s19 =	simm.s32 $_scs_section_size  }
0xa0: {  	s5 =	simm.s32 $_size__tile_overlayer_lowered;
	s6 =	simm.s32 $_tile_overlayer_lowered  }
0xa1: {  	s22 =	simm.s32 $0x1BFF;
	s21 =	sshll.u32 s6, $0x1;
	s3 =	sadd.s32 s19, s18  }
0xa2: {  	s7 =	simm.s32 $0x0;
	s20 =	sshll.u32 s5, $0x1;
	s5 =	sadd.s32 s21, s3  }
0xa3: {  	[timem:s7], [sflag:s22] =	dma.local [hbm:s5], s20  }
0xa4: {  	_ =	swait.ge [sflag:s22], s20  }
0xa5: {  	s4 =	ssub.s32 $0x0, s20;
	[sflag:s22] =	ssyncset.done $0x0  }
0xa6: {  	[sflag:s22] =	ssyncadd.s32 s4;
	_ =	sdelay $0x1  }
0xa7: {  	s23 =	simm.s32 $0x1B8B  }
0xa8: {  	_ =	swait.ge [sflag:s23], $0x1  }
0xa9: {  	[sflag:s23] =	ssyncset.done $0x0  }
0xaa: {  	s25 =	simm.s32 $0x1B8E;
	s24 =	sld [smem:$0x3FFE];
	[sflag:s23] =	ssyncadd.s32 $0xFFFFFFFF  }
0xab: {  	s26 =	simm.s32 $execute0_lowered;
	[smem:$0x3FD2] =	sst s25  }
0xac: {  	s5 =	sshll.u32 s26, $0x1;
	_ =	strace $0x80000046;
	[dreg:$0x1] =	wrdreg $0xFFFFFFFF  }
0xad: {  	s28 =	simm.s32 $_size_execute0_lowered;
	s3 =	sadd.s32 s3, s5;
	[dreg:$0x0] =	wrdreg $0x0  }
0xae: {  	s5 =	sshll.u32 s28, $0x1;
	[dreg:$0x2] =	wrdreg s3  }
0xaf: {  	[dreg:$0x3] =	wrdreg s5  }
0xb0: {  	[dreg:$0x4] =	wrdreg $0xC0  }
0xb1: {  	_ =	task [dreg:s7], $0x5FFFF  }
0xb2: {  	[dreg:$0x1] =	wrdreg $0xFFFFFFFF  }
0xb3: {  	[dreg:$0x0] =	wrdreg $0x60  }
0xb4: {  	[dreg:$0x2] =	wrdreg s24  }
0xb5: {  	[dreg:$0x3] =	wrdreg s16  }
0xb6: {  	[dreg:$0x4] =	wrdreg $0x9  }
0xb7: {  	_ =	task.clear_ibuf [dreg:s7], $0x5FFFF;
	_ =	strace $0x90000046  }
0xb8: {  	s29 =	simm.s32 $0x9;
	_ =	strace $0x80000048  }
0xb9: {  	_ =	swait.ge [sflag:s29], $0x1  }
0xba: {  	[sflag:s29] =	ssyncadd.s32 $0xFFFFFFFF  }
0xbb: {  	_ =	strace $0x90000048  }
0xbc: {  	_ =	sfence  }
0xbd: {  	s30 =	sld [smem:$0x0];
	_ =	sdelay $0x2  }
0xbe: {  	s31 =	sshll.u32 s1, $0xD;
	s1 =	sshrl.u32 s1, $0x2  }
0xbf: {  	s3 =	sand.u32 $0x4000, s31;
	s1 =	sadd.s32 s1, s30  }
0xc0: {  	s0 =	sor.u32 s3, s0;
	s1 =	sshll.u32 s1, $0x11  }
0xc1: {  	s0 =	sor.u32 s1, s0  }
0xc2: {  	s0 =	sadd.s32 $0x8F2B, s0  }
0xc3: {  	[sflag:s0] =	ssyncadd.remote.s32 $0x1  }
0xc4: {  	_ =	sfence.sel $0xFFFF  }
0xc5: {  	[dreg:$0x0] =	wrdreg $0xFFFFFFFF;
	(pc) =	sbr.abs _section_cstart, $3  }
0xc6: {  	[dreg:$0x1] =	wrdreg $0xFFFFFFFF  }
0xc7: {  	_ =	task.clear_ibuf [dreg:s7], $0x2FFFF;
	_ =	strace $0x9FFFFFFF  }
0xc8: {  	(tm) =	ssettm $0x7FFFFFFF  }
0xc9: {  	_ =	shalt  }
tec
execute0_lowered:
.L_overlay_start_1:
0x0: {  	(tag) =	ssettag $0x1  }
0x1: {  	s1 =	srdreg.scid;
	s3 =	rddreg [dreg:$0x0]  }
0x2: {  	s0 =	stileid.u32;
	s8 =	rddreg [dreg:$0x1]  }
0x3: {  	s2 =	simm.s32 $0x0;
	s12 =	simm.s32 $0x100;
	s13 =	simm.s32 $0x180  }
0x4: {  	s14 =	simm.s32 $0x200;
	s15 =	simm.s32 $0x400;
	s16 =	simm.s32 $0x280  }
0x5: {  	s17 =	simm.s32 $0x4400;
	s18 =	simm.s32 $0x300;
	s19 =	simm.s32 $0x8400  }
0x6: {  	s20 =	simm.s32 $0x380;
	s21 =	simm.s32 $0xC400;
	s22 =	simm.s32 $0x1  }
0x7: {  	s23 =	simm.s32 $0x10400;
	s24 =	simm.s32 $0x0;
	s4 =	sand.u32 $0x1, s1  }
0x8: {  	s5 =	sshll.u32 s0, $0x8;
	s1 =	rddreg [dreg:$0x2];
	s6 =	sshll.u32 s4, $0x7  }
0x9: {  	[smem:$0x7FF] =	sst s2;
	s4 =	ssub.s32 $0x2, s4;
	s7 =	sor.u32 s6, s5  }
0xa: {  	_ =	strace $0x80000047;
	s31 =	sshrl.u32 s4, $0x1;
	s5 =	sshrl.u32 s7, $0x3  }
0xb: {  	s10 =	ssub.s32 s4, s31;
	s11 =	sshll.u32 s7, $0x4;
	s9 =	sadd.s32 s5, s3  }
0xc: {  	s3 =	sadd.s32 $0x1200, s3;
	s8 =	sadd.s32 s8, s11;
	s11 =	simm.s32 $0x80  }
0xd: {  	s4 =	sadd.s32 $0xA00, s9;
	s5 =	sadd.s32 $0xC00, s9;
	s6 =	sadd.s32 $0xE00, s9  }
0xe: {  	s7 =	sadd.s32 $0x1000, s9;
	s9 =	smax.u32 s10, $0x1;
	s10 =	simm.s32 $0x2  }
.LBB2_1:
0xf: {  	[tilespmem:s2], [sflag:$0x2] =	stream.linear.gather [hbm4b:s4+s2], $0x80, $0x38;
	[tilespmem:$0x14400] =	vst v63  }
0x10: {  	_ =	swait.ge [sflag:s10], $0x80  }
0x11: {  	[sflag:s10] =	ssyncset.done $0x0  }
0x12: {  	[sflag:s10] =	ssyncadd.s32 $0xFFFFFF80  }
0x13: {  	[tilespmem:s11], [sflag:$0x2] =	stream.linear.gather [hbm4b:s5+s2], $0x80, $0x38;
	[tilespmem:$0x14400] =	vst v63  }
0x14: {  	_ =	swait.ge [sflag:s10], $0x80  }
0x15: {  	[sflag:s10] =	ssyncset.done $0x0  }
0x16: {  	[sflag:s10] =	ssyncadd.s32 $0xFFFFFF80  }
0x17: {  	[tilespmem:s12], [sflag:$0x2] =	stream.linear.gather [hbm4b:s6+s2], $0x80, $0x38;
	[tilespmem:$0x14400] =	vst v63  }
0x18: {  	_ =	swait.ge [sflag:s10], $0x80  }
0x19: {  	[sflag:s10] =	ssyncset.done $0x0  }
0x1a: {  	[sflag:s10] =	ssyncadd.s32 $0xFFFFFF80  }
0x1b: {  	[tilespmem:s13], [sflag:$0x2] =	stream.linear.gather [hbm4b:s7+s2], $0x80, $0x38;
	[tilespmem:$0x14400] =	vst v63  }
0x1c: {  	_ =	swait.ge [sflag:s10], $0x80  }
0x1d: {  	[sflag:s10] =	ssyncset.done $0x0  }
0x1e: {  	[sflag:s10] =	ssyncadd.s32 $0xFFFFFF80  }
0x1f: {  	v0 =	vld [tilespmem:$0x0]  }
0x20: {  	v1 =	vld [tilespmem:$0x10]  }
0x21: {  	v2 =	vld [tilespmem:$0x20]  }
0x22: {  	v3 =	vld [tilespmem:$0x30]  }
0x23: {  	v4 =	vld [tilespmem:$0x40]  }
0x24: {  	v5 =	vld [tilespmem:$0x50]  }
0x25: {  	v6 =	vld [tilespmem:$0x60];
	v0 =	vshll.u32 v0, $0x2  }
0x26: {  	[tilespmem:$0x200] =	vst v0;
	v0 =	vshll.u32 v1, $0x2;
	v1 =	vld [tilespmem:$0x70]  }
0x27: {  	[tilespmem:$0x210] =	vst v0;
	v0 =	vshll.u32 v2, $0x2;
	v2 =	vld [tilespmem:$0x80]  }
0x28: {  	[tilespmem:$0x220] =	vst v0;
	v0 =	vshll.u32 v3, $0x2;
	v3 =	vld [tilespmem:$0x90]  }
0x29: {  	[tilespmem:$0x230] =	vst v0;
	v0 =	vshll.u32 v4, $0x2;
	v4 =	vld [tilespmem:$0xA0]  }
0x2a: {  	[tilespmem:$0x240] =	vst v0;
	v0 =	vshll.u32 v5, $0x2;
	v5 =	vld [tilespmem:$0xB0]  }
0x2b: {  	[tilespmem:$0x250] =	vst v0;
	v0 =	vshll.u32 v6, $0x2;
	v6 =	vld [tilespmem:$0xC0]  }
0x2c: {  	[tilespmem:$0x260] =	vst v0;
	v0 =	vshll.u32 v1, $0x2;
	v1 =	vshll.u32 v2, $0x2;
	v2 =	vld [tilespmem:$0xD0]  }
0x2d: {  	[tilespmem:$0x270] =	vst v0;
	v0 =	vor.u32 $0x1, v1;
	v1 =	vshll.u32 v3, $0x2;
	v3 =	vld [tilespmem:$0xE0]  }
0x2e: {  	[tilespmem:$0x280] =	vst v0;
	v0 =	vor.u32 $0x1, v1;
	v1 =	vshll.u32 v4, $0x2;
	v4 =	vld [tilespmem:$0xF0]  }
0x2f: {  	[tilespmem:$0x290] =	vst v0;
	v0 =	vor.u32 $0x1, v1;
	v1 =	vshll.u32 v5, $0x2;
	v5 =	vld [tilespmem:$0x100]  }
0x30: {  	[tilespmem:$0x2A0] =	vst v0;
	v0 =	vor.u32 $0x1, v1;
	v1 =	vshll.u32 v6, $0x2;
	v6 =	vld [tilespmem:$0x110]  }
0x31: {  	[tilespmem:$0x2B0] =	vst v0;
	v0 =	vor.u32 $0x1, v1;
	v1 =	vshll.u32 v2, $0x2;
	v2 =	vld [tilespmem:$0x120]  }
0x32: {  	[tilespmem:$0x2C0] =	vst v0;
	v0 =	vor.u32 $0x1, v1;
	v1 =	vshll.u32 v3, $0x2;
	v3 =	vld [tilespmem:$0x130]  }
0x33: {  	[tilespmem:$0x2D0] =	vst v0;
	v0 =	vor.u32 $0x1, v1;
	v1 =	vshll.u32 v4, $0x2;
	v4 =	vld [tilespmem:$0x140]  }
0x34: {  	[tilespmem:$0x2E0] =	vst v0;
	v0 =	vor.u32 $0x1, v1;
	v1 =	vshll.u32 v5, $0x2;
	v5 =	vld [tilespmem:$0x150]  }
0x35: {  	[tilespmem:$0x2F0] =	vst v0;
	v0 =	vor.u32 $0x2, v1;
	v1 =	vshll.u32 v6, $0x2;
	v6 =	vld [tilespmem:$0x160]  }
0x36: {  	[tilespmem:$0x300] =	vst v0;
	v0 =	vor.u32 $0x2, v1;
	v1 =	vshll.u32 v2, $0x2;
	v2 =	vld [tilespmem:$0x170]  }
0x37: {  	[tilespmem:$0x310] =	vst v0;
	v0 =	vor.u32 $0x2, v1;
	v1 =	vshll.u32 v3, $0x2;
	v3 =	vld [tilespmem:$0x180]  }
0x38: {  	[tilespmem:$0x320] =	vst v0;
	v0 =	vor.u32 $0x2, v1;
	v1 =	vshll.u32 v4, $0x2;
	v4 =	vld [tilespmem:$0x190]  }
0x39: {  	[tilespmem:$0x330] =	vst v0;
	v0 =	vor.u32 $0x2, v1;
	v1 =	vshll.u32 v5, $0x2;
	v5 =	vld [tilespmem:$0x1A0]  }
0x3a: {  	[tilespmem:$0x340] =	vst v0;
	v0 =	vor.u32 $0x2, v1;
	v1 =	vshll.u32 v6, $0x2;
	v6 =	vld [tilespmem:$0x1B0]  }
0x3b: {  	[tilespmem:$0x350] =	vst v0;
	v0 =	vor.u32 $0x2, v1;
	v1 =	vshll.u32 v2, $0x2;
	v2 =	vld [tilespmem:$0x1C0]  }
0x3c: {  	[tilespmem:$0x360] =	vst v0;
	v0 =	vor.u32 $0x2, v1;
	v1 =	vshll.u32 v3, $0x2;
	v3 =	vld [tilespmem:$0x1D0]  }
0x3d: {  	[tilespmem:$0x370] =	vst v0;
	v0 =	vor.u32 $0x3, v1;
	v1 =	vshll.u32 v4, $0x2;
	v4 =	vld [tilespmem:$0x1E0]  }
0x3e: {  	[tilespmem:$0x380] =	vst v0;
	v0 =	vor.u32 $0x3, v1;
	v1 =	vshll.u32 v5, $0x2;
	v5 =	vld [tilespmem:$0x1F0]  }
0x3f: {  	[tilespmem:$0x390] =	vst v0;
	v0 =	vor.u32 $0x3, v1;
	v1 =	vshll.u32 v6, $0x2  }
0x40: {  	[tilespmem:$0x3A0] =	vst v0;
	v0 =	vor.u32 $0x3, v1;
	v1 =	vshll.u32 v2, $0x2  }
0x41: {  	[tilespmem:$0x3B0] =	vst v0;
	v0 =	vor.u32 $0x3, v1;
	v1 =	vshll.u32 v3, $0x2  }
0x42: {  	[tilespmem:$0x3C0] =	vst v0;
	v0 =	vor.u32 $0x3, v1;
	v1 =	vshll.u32 v4, $0x2  }
0x43: {  	[tilespmem:$0x3D0] =	vst v0;
	v0 =	vor.u32 $0x3, v1;
	v1 =	vshll.u32 v5, $0x2  }
0x44: {  	[tilespmem:$0x3E0] =	vst v0;
	v0 =	vor.u32 $0x3, v1  }
0x45: {  	[tilespmem:$0x3F0] =	vst v0  }
0x46: {  	[tilespmem:s15], [sflag:$0x1] =	stream.indirect.gather [hbm4b:s3+s11], $0x80, s14, s11, $0xb8;
	[tilespmem:$0x14400] =	vst v63  }
0x47: {  	_ = 	snop  }
0x48: {  	[tilespmem:s17], [sflag:$0x1] =	stream.indirect.gather [hbm4b:s3+s11], $0x80, s16, s11, $0xb8;
	[tilespmem:$0x14400] =	vst v63  }
0x49: {  	_ = 	snop  }
0x4a: {  	[tilespmem:s19], [sflag:$0x1] =	stream.indirect.gather [hbm4b:s3+s11], $0x80, s18, s11, $0xb8;
	[tilespmem:$0x14400] =	vst v63  }
0x4b: {  	_ = 	snop  }
0x4c: {  	[tilespmem:s21], [sflag:$0x1] =	stream.indirect.gather [hbm4b:s3+s11], $0x80, s20, s11, $0xb8;
	[tilespmem:$0x14400] =	vst v63  }
0x4d: {  	_ =	swait.ge [sflag:s22], $0x4000  }
0x4e: {  	[sflag:s22] =	ssyncset.done $0x0  }
0x4f: {  	[sflag:s22] =	ssyncadd.s32 $0xFFFFC000  }
0x50: {  	_ =	swait.ge [sflag:s22], $0x4000  }
0x51: {  	[sflag:s22] =	ssyncset.done $0x0  }
0x52: {  	[sflag:s22] =	ssyncadd.s32 $0xFFFFC000  }
0x53: {  	_ =	swait.ge [sflag:s22], $0x4000  }
0x54: {  	[sflag:s22] =	ssyncset.done $0x0  }
0x55: {  	[sflag:s22] =	ssyncadd.s32 $0xFFFFC000  }
0x56: {  	_ =	swait.ge [sflag:s22], $0x4000  }
0x57: {  	[sflag:s22] =	ssyncset.done $0x0  }
0x58: {  	s25 =	simm.s32 $0x0;
	[sflag:s22] =	ssyncadd.s32 $0xFFFFC000  }
0x59: {  	v0 =	vld [tilespmem:s25+$0x5F0]  }
0x5a: {  	v1 =	vld [tilespmem:s25+$0x45F0];
	_ =	sdelay $0x1  }
0x5b: {  	v2 =	vld [tilespmem:s25+$0x85F0];
	_ =	sdelay $0x1  }
0x5c: {  	v3 =	vld [tilespmem:s25+$0xC5F0]  }
0x5d: {  	v0 =	vadd.f32 v1, v0;
	_ =	sdelay $0x1  }
0x5e: {  	v0 =	vadd.f32 v2, v0;
	_ =	sdelay $0x1  }
0x5f: {  	v0 =	vadd.f32 v3, v0;
	_ =	sdelay $0x1  }
0x60: {  	[tilespmem:s25+$0x105F0] =	vst v0;
	v0 =	vld [tilespmem:s25+$0x500];
	_ =	sdelay $0x4  }
0x61: {  	[tilespmem:$0x1FE10] =	vst v0;
	v0 =	vld [tilespmem:s25+$0x4500];
	_ =	sdelay $0x4  }
0x62: {  	[tilespmem:$0x1FE20] =	vst v0;
	v0 =	vld [tilespmem:s25+$0x510];
	_ =	sdelay $0x4  }
0x63: {  	[tilespmem:$0x1FE30] =	vst v0;
	v0 =	vld [tilespmem:s25+$0x4510];
	_ =	sdelay $0x4  }
0x64: {  	[tilespmem:$0x1FE40] =	vst v0;
	v0 =	vld [tilespmem:s25+$0x520];
	_ =	sdelay $0x4  }
0x65: {  	[tilespmem:$0x1FE50] =	vst v0;
	v0 =	vld [tilespmem:s25+$0x4520];
	_ =	sdelay $0x4  }
0x66: {  	[tilespmem:$0x1FE60] =	vst v0;
	v0 =	vld [tilespmem:s25+$0x530];
	_ =	sdelay $0x4  }
0x67: {  	[tilespmem:$0x1FE70] =	vst v0;
	v0 =	vld [tilespmem:s25+$0x4530];
	_ =	sdelay $0x4  }
0x68: {  	[tilespmem:$0x1FE80] =	vst v0;
	v0 =	vld [tilespmem:s25+$0x540];
	_ =	sdelay $0x4  }
0x69: {  	[tilespmem:$0x1FE90] =	vst v0;
	v0 =	vld [tilespmem:s25+$0x4540];
	_ =	sdelay $0x4  }
0x6a: {  	[tilespmem:$0x1FEA0] =	vst v0;
	v0 =	vld [tilespmem:s25+$0x550];
	_ =	sdelay $0x4  }
0x6b: {  	[tilespmem:$0x1FEB0] =	vst v0;
	v0 =	vld [tilespmem:s25+$0x4550];
	_ =	sdelay $0x4  }
0x6c: {  	[tilespmem:$0x1FEC0] =	vst v0;
	v0 =	vld [tilespmem:s25+$0x560];
	_ =	sdelay $0x4  }
0x6d: {  	[tilespmem:$0x1FED0] =	vst v0;
	v0 =	vld [tilespmem:s25+$0x4560];
	_ =	sdelay $0x4  }
0x6e: {  	[tilespmem:$0x1FEE0] =	vst v0;
	v0 =	vld [tilespmem:s25+$0x570];
	_ =	sdelay $0x4  }
0x6f: {  	[tilespmem:$0x1FEF0] =	vst v0;
	v0 =	vld [tilespmem:s25+$0x4570];
	_ =	sdelay $0x4  }
0x70: {  	[tilespmem:$0x1FF00] =	vst v0;
	v0 =	vld [tilespmem:s25+$0x580];
	_ =	sdelay $0x4  }
0x71: {  	[tilespmem:$0x1FF10] =	vst v0;
	v0 =	vld [tilespmem:s25+$0x4580];
	_ =	sdelay $0x4  }
0x72: {  	[tilespmem:$0x1FF20] =	vst v0;
	v0 =	vld [tilespmem:s25+$0x590];
	_ =	sdelay $0x4  }
0x73: {  	[tilespmem:$0x1FF30] =	vst v0;
	v0 =	vld [tilespmem:s25+$0x4590];
	_ =	sdelay $0x4  }
0x74: {  	[tilespmem:$0x1FF40] =	vst v0;
	v0 =	vld [tilespmem:s25+$0x5A0]  }
0x75: {  	v44 =	vld [tilespmem:s25+$0x400]  }
0x76: {  	v45 =	vld [tilespmem:s25+$0x4400]  }
0x77: {  	v46 =	vld [tilespmem:s25+$0x410]  }
0x78: {  	v47 =	vld [tilespmem:s25+$0x4410]  }
0x79: {  	[tilespmem:$0x1FF50] =	vst v0;
	v0 =	vld [tilespmem:s25+$0x45A0]  }
0x7a: {  	v48 =	vld [tilespmem:s25+$0x420]  }
0x7b: {  	v49 =	vld [tilespmem:s25+$0x4420]  }
0x7c: {  	v50 =	vld [tilespmem:s25+$0x430]  }
0x7d: {  	v51 =	vld [tilespmem:s25+$0x4430]  }
0x7e: {  	[tilespmem:$0x1FF60] =	vst v0;
	v0 =	vld [tilespmem:s25+$0x5B0]  }
0x7f: {  	v52 =	vld [tilespmem:s25+$0x440]  }
0x80: {  	v53 =	vld [tilespmem:s25+$0x4440]  }
0x81: {  	v54 =	vld [tilespmem:s25+$0x450]  }
0x82: {  	v55 =	vld [tilespmem:s25+$0x4450]  }
0x83: {  	[tilespmem:$0x1FF70] =	vst v0;
	v0 =	vld [tilespmem:s25+$0x45B0]  }
0x84: {  	v56 =	vld [tilespmem:s25+$0x460]  }
0x85: {  	v57 =	vld [tilespmem:s25+$0x4460]  }
0x86: {  	v58 =	vld [tilespmem:s25+$0x470]  }
0x87: {  	v59 =	vld [tilespmem:s25+$0x4470]  }
0x88: {  	[tilespmem:$0x1FF80] =	vst v0;
	v0 =	vld [tilespmem:s25+$0x5C0]  }
0x89: {  	v60 =	vld [tilespmem:s25+$0x480]  }
0x8a: {  	v61 =	vld [tilespmem:s25+$0x4480]  }
0x8b: {  	v62 =	vld [tilespmem:s25+$0x490]  }
0x8c: {  	v63 =	vld [tilespmem:s25+$0x4490]  }
0x8d: {  	[tilespmem:$0x1FF90] =	vst v0;
	v0 =	vld [tilespmem:s25+$0x45C0]  }
0x8e: {  	v23 =	vld [tilespmem:s25+$0x4A0]  }
0x8f: {  	v22 =	vld [tilespmem:s25+$0x44A0]  }
0x90: {  	v26 =	vld [tilespmem:s25+$0x4B0]  }
0x91: {  	v25 =	vld [tilespmem:s25+$0x44B0]  }
0x92: {  	[tilespmem:$0x1FFA0] =	vst v0;
	v0 =	vld [tilespmem:s25+$0x5D0]  }
0x93: {  	v28 =	vld [tilespmem:s25+$0x4C0]  }
0x94: {  	v27 =	vld [tilespmem:s25+$0x44C0]  }
0x95: {  	v42 =	vld [tilespmem:s25+$0x4D0]  }
0x96: {  	v30 =	vld [tilespmem:s25+$0x44D0]  }
0x97: {  	[tilespmem:$0x1FFB0] =	vst v0;
	v0 =	vld [tilespmem:s25+$0x45D0]  }
0x98: {  	v37 =	vld [tilespmem:s25+$0x4E0]  }
0x99: {  	v40 =	vld [tilespmem:s25+$0x44E0]  }
0x9a: {  	v32 =	vld [tilespmem:s25+$0x4F0]  }
0x9b: {  	v35 =	vld [tilespmem:s25+$0x44F0]  }
0x9c: {  	[tilespmem:$0x1FFC0] =	vst v0;
	v0 =	vld [tilespmem:s25+$0x5E0]  }
0x9d: {  	v4 =	vld [tilespmem:s25+$0x8420]  }
0x9e: {  	v5 =	vld [tilespmem:s25+$0x8430]  }
0x9f: {  	v6 =	vld [tilespmem:s25+$0x8440]  }
0xa0: {  	v7 =	vld [tilespmem:s25+$0x8450]  }
0xa1: {  	[tilespmem:$0x1FFD0] =	vst v0;
	v0 =	vld [tilespmem:s25+$0x45E0]  }
0xa2: {  	v8 =	vld [tilespmem:s25+$0x8460]  }
0xa3: {  	v9 =	vld [tilespmem:s25+$0x8470]  }
0xa4: {  	v10 =	vld [tilespmem:s25+$0x8480]  }
0xa5: {  	v11 =	vld [tilespmem:s25+$0x8490]  }
0xa6: {  	[tilespmem:$0x1FFE0] =	vst v0;
	v0 =	vld [tilespmem:s25+$0x85D0]  }
0xa7: {  	v12 =	vld [tilespmem:s25+$0x84A0]  }
0xa8: {  	v1 =	vld [tilespmem:s25+$0xC420]  }
0xa9: {  	v2 =	vld [tilespmem:s25+$0x8400]  }
0xaa: {  	v46 =	vadd.f32 v47, v46;
	v47 =	vadd.f32 v49, v48;
	v3 =	vld [tilespmem:s25+$0x8410]  }
0xab: {  	[tilespmem:$0x1FFF0] =	vst v0;
	v0 =	vld [tilespmem:s25+$0xC400]  }
0xac: {  	v44 =	vadd.f32 v45, v44;
	v45 =	vld [tilespmem:s25+$0xC410];
	v4 =	vadd.f32 v4, v47  }
0xad: {  	v13 =	vld [tilespmem:s25+$0x84B0]  }
0xae: {  	v14 =	vld [tilespmem:s25+$0x84C0];
	v1 =	vadd.f32 v1, v4;
	v2 =	vadd.f32 v2, v44  }
0xaf: {  	v49 =	vld [tilespmem:s25+$0xC460];
	v3 =	vadd.f32 v3, v46  }
0xb0: {  	v44 =	vld [tilespmem:s25+$0xC430];
	[tilespmem:s25+$0x10420] =	vst v1;
	v1 =	vadd.f32 v57, v56;
	v0 =	vadd.f32 v0, v2  }
0xb1: {  	v48 =	vld [tilespmem:s25+$0xC440];
	v46 =	vadd.f32 v51, v50;
	v3 =	vadd.f32 v45, v3  }
0xb2: {  	v1 =	vadd.f32 v8, v1;
	v2 =	vld [tilespmem:s25+$0xC450];
	[tilespmem:s25+$0x10400] =	vst v0;
	v0 =	vadd.f32 v53, v52  }
0xb3: {  	v15 =	vld [tilespmem:s25+$0x84D0];
	v5 =	vadd.f32 v5, v46;
	[tilespmem:s25+$0x10410] =	vst v3;
	v3 =	vadd.f32 v55, v54  }
0xb4: {  	v16 =	vld [tilespmem:s25+$0x84E0];
	v1 =	vadd.f32 v49, v1;
	v0 =	vadd.f32 v6, v0  }
0xb5: {  	v5 =	vadd.f32 v44, v5;
	v3 =	vadd.f32 v7, v3;
	v7 =	vld [tilespmem:s25+$0xC4A0]  }
0xb6: {  	[tilespmem:s25+$0x10460] =	vst v1;
	v1 =	vadd.f32 v22, v23;
	v53 =	vld [tilespmem:s25+$0xC470];
	v0 =	vadd.f32 v48, v0  }
0xb7: {  	v4 =	vld [tilespmem:s25+$0xC480];
	[tilespmem:s25+$0x10430] =	vst v5;
	v5 =	vadd.f32 v59, v58;
	v2 =	vadd.f32 v2, v3  }
0xb8: {  	v1 =	vadd.f32 v12, v1;
	v6 =	vld [tilespmem:s25+$0xC490];
	[tilespmem:s25+$0x10440] =	vst v0;
	v0 =	vadd.f32 v61, v60  }
0xb9: {  	v17 =	vld [tilespmem:s25+$0x84F0];
	v5 =	vadd.f32 v9, v5;
	[tilespmem:s25+$0x10450] =	vst v2;
	v2 =	vadd.f32 v63, v62  }
0xba: {  	v18 =	vld [tilespmem:s25+$0x8500];
	v1 =	vadd.f32 v7, v1;
	v0 =	vadd.f32 v10, v0  }
0xbb: {  	v3 =	vld [tilespmem:s25+$0xC4B0];
	v5 =	vadd.f32 v53, v5;
	v2 =	vadd.f32 v11, v2  }
0xbc: {  	v8 =	vld [tilespmem:s25+$0xC4C0];
	[tilespmem:s25+$0x104A0] =	vst v1;
	v0 =	vadd.f32 v4, v0;
	v4 =	vadd.f32 v25, v26  }
0xbd: {  	v9 =	vld [tilespmem:s25+$0xC4D0];
	[tilespmem:s25+$0x10470] =	vst v5;
	v2 =	vadd.f32 v6, v2  }
0xbe: {  	v5 =	vld [tilespmem:s25+$0xC4E0];
	[tilespmem:s25+$0x10480] =	vst v0;
	v0 =	vadd.f32 v27, v28;
	v4 =	vadd.f32 v13, v4  }
0xbf: {  	v19 =	vld [tilespmem:s25+$0x8510];
	v1 =	vadd.f32 v40, v37;
	[tilespmem:s25+$0x10490] =	vst v2;
	v2 =	vadd.f32 v30, v42  }
0xc0: {  	v20 =	vld [tilespmem:s25+$0x8520];
	v0 =	vadd.f32 v14, v0;
	v3 =	vadd.f32 v3, v4  }
0xc1: {  	v1 =	vadd.f32 v16, v1;
	v6 =	vld [tilespmem:s25+$0xC4F0];
	v2 =	vadd.f32 v15, v2  }
0xc2: {  	v21 =	vld [tilespmem:s25+$0x8530];
	v0 =	vadd.f32 v8, v0;
	[tilespmem:s25+$0x104B0] =	vst v3;
	v3 =	vadd.f32 v35, v32  }
0xc3: {  	v1 =	vadd.f32 v5, v1;
	v2 =	vadd.f32 v9, v2;
	v9 =	vld [tilespmem:$0x1FE20]  }
0xc4: {  	[tilespmem:s25+$0x104C0] =	vst v0;
	v0 =	vld [tilespmem:$0x1FE10];
	v3 =	vadd.f32 v17, v3  }
0xc5: {  	[tilespmem:s25+$0x104E0] =	vst v1;
	v1 =	vld [tilespmem:$0x1FE90]  }
0xc6: {  	v3 =	vadd.f32 v6, v3;
	v6 =	vld [tilespmem:$0x1FEA0]  }
0xc7: {  	v7 =	vld [tilespmem:s25+$0xC500]  }
0xc8: {  	v10 =	vld [tilespmem:$0x1FE40]  }
0xc9: {  	v0 =	vadd.f32 v9, v0;
	v9 =	vld [tilespmem:$0x1FE30]  }
0xca: {  	v12 =	vld [tilespmem:$0x1FEC0]  }
0xcb: {  	v1 =	vadd.f32 v6, v1;
	v6 =	vld [tilespmem:$0x1FEB0]  }
0xcc: {  	v4 =	vld [tilespmem:s25+$0xC510];
	v0 =	vadd.f32 v18, v0  }
0xcd: {  	[tilespmem:s25+$0x104F0] =	vst v3;
	v3 =	vld [tilespmem:$0x1FED0]  }
0xce: {  	v0 =	vadd.f32 v7, v0;
	v7 =	vld [tilespmem:$0x1FEE0];
	v9 =	vadd.f32 v10, v9  }
0xcf: {  	v24 =	vld [tilespmem:s25+$0x8540]  }
0xd0: {  	[tilespmem:s25+$0x10500] =	vst v0;
	v0 =	vld [tilespmem:$0x1FF10];
	v12 =	vadd.f32 v12, v6;
	v6 =	vadd.f32 v19, v9  }
0xd1: {  	v9 =	vld [tilespmem:$0x1FF00]  }
0xd2: {  	v4 =	vadd.f32 v4, v6;
	v6 =	vld [tilespmem:$0x1FF20]  }
0xd3: {  	v3 =	vadd.f32 v7, v3;
	v7 =	vld [tilespmem:$0x1FEF0]  }
0xd4: {  	v29 =	vld [tilespmem:s25+$0x8550]  }
0xd5: {  	v43 =	vld [tilespmem:s25+$0x8560]  }
0xd6: {  	v41 =	vld [tilespmem:s25+$0x8570]  }
0xd7: {  	v0 =	vadd.f32 v6, v0;
	v6 =	vld [tilespmem:$0x1FF30]  }
0xd8: {  	v9 =	vadd.f32 v9, v7;
	v7 =	vld [tilespmem:$0x1FF40]  }
0xd9: {  	v38 =	vld [tilespmem:s25+$0x8580]  }
0xda: {  	v5 =	vld [tilespmem:$0x1FE60]  }
0xdb: {  	[tilespmem:s25+$0x104D0] =	vst v2;
	v2 =	vld [tilespmem:$0x1FE50]  }
0xdc: {  	[tilespmem:s25+$0x10510] =	vst v4;
	v4 =	vld [tilespmem:$0x1FF50]  }
0xdd: {  	v15 =	vadd.f32 v7, v6;
	v6 =	vld [tilespmem:$0x1FF60]  }
0xde: {  	v39 =	vld [tilespmem:s25+$0x8590]  }
0xdf: {  	v8 =	vld [tilespmem:s25+$0xC520]  }
0xe0: {  	v36 =	vld [tilespmem:s25+$0x85A0];
	v2 =	vadd.f32 v5, v2  }
0xe1: {  	v7 =	vld [tilespmem:$0x1FF80]  }
0xe2: {  	v2 =	vadd.f32 v20, v2;
	v4 =	vadd.f32 v6, v4;
	v6 =	vld [tilespmem:$0x1FF70]  }
0xe3: {  	v33 =	vld [tilespmem:s25+$0x85B0]  }
0xe4: {  	v11 =	vld [tilespmem:$0x1FE80];
	v2 =	vadd.f32 v8, v2  }
0xe5: {  	v5 =	vld [tilespmem:$0x1FE70]  }
0xe6: {  	[tilespmem:s25+$0x10520] =	vst v2;
	v2 =	vld [tilespmem:$0x1FF90]  }
0xe7: {  	v62 =	vadd.f32 v7, v6;
	v6 =	vld [tilespmem:$0x1FFA0]  }
0xe8: {  	v34 =	vld [tilespmem:s25+$0x85C0]  }
0xe9: {  	v10 =	vld [tilespmem:s25+$0xC530]  }
0xea: {  	v61 =	vld [tilespmem:s25+$0xC570];
	v5 =	vadd.f32 v11, v5  }
0xeb: {  	v7 =	vld [tilespmem:$0x1FFC0]  }
0xec: {  	v5 =	vadd.f32 v21, v5;
	v2 =	vadd.f32 v6, v2;
	v6 =	vld [tilespmem:$0x1FFB0]  }
0xed: {  	v13 =	vld [tilespmem:s25+$0xC550]  }
0xee: {  	v14 =	vld [tilespmem:s25+$0xC560];
	v5 =	vadd.f32 v10, v5  }
0xef: {  	v11 =	vld [tilespmem:s25+$0xC540]  }
0xf0: {  	v1 =	vadd.f32 v24, v1;
	[tilespmem:s25+$0x10530] =	vst v5;
	v5 =	vld [tilespmem:$0x1FFD0]  }
0xf1: {  	v8 =	vadd.f32 v29, v12;
	v10 =	vadd.f32 v7, v6;
	v7 =	vld [tilespmem:$0x1FFE0]  }
0xf2: {  	v31 =	vld [tilespmem:s25+$0x85E0];
	v3 =	vadd.f32 v43, v3;
	v12 =	vadd.f32 v41, v9  }
0xf3: {  	v9 =	vadd.f32 v13, v8;
	v13 =	vadd.f32 v38, v0;
	v0 =	vld [tilespmem:$0x1FFF0]  }
0xf4: {  	v63 =	vld [tilespmem:s25+$0xC580];
	v1 =	vadd.f32 v11, v1  }
0xf5: {  	v14 =	vadd.f32 v14, v3;
	v12 =	vadd.f32 v61, v12;
	v6 =	vld [tilespmem:s25+$0xC590]  }
0xf6: {  	v4 =	vadd.f32 v36, v4;
	v11 =	vadd.f32 v7, v5;
	v7 =	vld [tilespmem:s25+$0xC5A0]  }
0xf7: {  	[tilespmem:s25+$0x10540] =	vst v1;
	v8 =	vld [tilespmem:s25+$0xC5B0];
	v3 =	vadd.f32 v33, v62;
	v2 =	vadd.f32 v34, v2  }
0xf8: {  	[tilespmem:s25+$0x10550] =	vst v9;
	v9 =	vld [tilespmem:s25+$0xC5C0];
	v1 =	vadd.f32 v0, v10;
	v5 =	vadd.f32 v39, v15  }
0xf9: {  	s26 =	simm.s32 $0x0;
	s28 =	simm.s32 $0x800;
	[tilespmem:s25+$0x10560] =	vst v14;
	v10 =	vld [tilespmem:s25+$0xC5D0];
	v0 =	vadd.f32 v31, v11;
	v11 =	vadd.f32 v63, v13  }
.LBB2_2:
0xfa: {  	s29 =	sshra.s32 s28, $0x2;
	[tilespmem:s25+$0x10570] =	vst v12;
	v5 =	vadd.f32 v6, v5;
	v6 =	vld [tilespmem:s25+$0xC5E0]  }
0xfb: {  	s26 =	sadd.s32 $0x4, s26;
	v12 =	vld [tilespmem:s29+$0x5F0];
	[tilespmem:s25+$0x10580] =	vst v11;
	v4 =	vadd.f32 v7, v4  }
0xfc: {  	p0 =	slt.u32 s26, $0x7C;
	v7 =	vld [tilespmem:s29+$0x45F0];
	[tilespmem:s25+$0x10590] =	vst v5;
	v3 =	vadd.f32 v8, v3  }
0xfd: {  	v5 =	vld [tilespmem:s29+$0x400];
	[tilespmem:s25+$0x105A0] =	vst v4;
	v2 =	vadd.f32 v9, v2  }
0xfe: {  	v4 =	vld [tilespmem:s29+$0x85F0];
	[tilespmem:s25+$0x105B0] =	vst v3;
	v1 =	vadd.f32 v10, v1  }
0xff: {  	v3 =	vld [tilespmem:s29+$0x4400];
	[tilespmem:s25+$0x105C0] =	vst v2;
	v0 =	vadd.f32 v6, v0  }
0x100: {  	v2 =	vld [tilespmem:s29+$0xC5F0];
	[tilespmem:s25+$0x105D0] =	vst v1  }
0x101: {  	v1 =	vld [tilespmem:s29+$0x410];
	v6 =	vadd.f32 v7, v12;
	[tilespmem:s25+$0x105E0] =	vst v0;
	s25 =	smov.u32 s29  }
0x102: {  	v7 =	vld [tilespmem:s25+$0x4410]  }
0x103: {  	v8 =	vld [tilespmem:s25+$0x420];
	v4 =	vadd.f32 v4, v6  }
0x104: {  	v0 =	vadd.f32 v3, v5;
	v3 =	vld [tilespmem:s25+$0x4420]  }
0x105: {  	v5 =	vld [tilespmem:s25+$0x430];
	v2 =	vadd.f32 v2, v4  }
0x106: {  	v4 =	vld [tilespmem:s25+$0x4430]  }
0x107: {  	v1 =	vadd.f32 v7, v1;
	v6 =	vld [tilespmem:s25+$0x440];
	[tilespmem:s25+$0x105F0] =	vst v2  }
0x108: {  	v7 =	vld [tilespmem:s25+$0x4440]  }
0x109: {  	v2 =	vadd.f32 v3, v8;
	v8 =	vld [tilespmem:s25+$0x450]  }
0x10a: {  	v9 =	vld [tilespmem:s25+$0x4450]  }
0x10b: {  	v3 =	vadd.f32 v4, v5;
	v10 =	vld [tilespmem:s25+$0x460]  }
0x10c: {  	v11 =	vld [tilespmem:s25+$0x4460]  }
0x10d: {  	v4 =	vadd.f32 v7, v6;
	v7 =	vld [tilespmem:s25+$0x470]  }
0x10e: {  	v12 =	vld [tilespmem:s25+$0x4470]  }
0x10f: {  	v5 =	vadd.f32 v9, v8;
	v8 =	vld [tilespmem:s25+$0x480]  }
0x110: {  	v9 =	vld [tilespmem:s25+$0x4480]  }
0x111: {  	v6 =	vadd.f32 v11, v10;
	v10 =	vld [tilespmem:s25+$0x490]  }
0x112: {  	v11 =	vld [tilespmem:s25+$0x4490]  }
0x113: {  	v7 =	vadd.f32 v12, v7;
	v12 =	vld [tilespmem:s25+$0x4A0]  }
0x114: {  	v13 =	vld [tilespmem:s25+$0x44A0]  }
0x115: {  	v8 =	vadd.f32 v9, v8;
	v14 =	vld [tilespmem:s25+$0x4B0]  }
0x116: {  	v15 =	vld [tilespmem:s25+$0x44B0]  }
0x117: {  	v9 =	vadd.f32 v11, v10;
	v16 =	vld [tilespmem:s25+$0x4C0]  }
0x118: {  	v17 =	vld [tilespmem:s25+$0x44C0]  }
0x119: {  	v10 =	vadd.f32 v13, v12;
	v13 =	vld [tilespmem:s25+$0x4D0]  }
0x11a: {  	v18 =	vld [tilespmem:s25+$0x44D0]  }
0x11b: {  	v11 =	vadd.f32 v15, v14;
	v14 =	vld [tilespmem:s25+$0x4E0]  }
0x11c: {  	v15 =	vld [tilespmem:s25+$0x44E0]  }
0x11d: {  	v12 =	vadd.f32 v17, v16;
	v16 =	vld [tilespmem:s25+$0x4F0]  }
0x11e: {  	v17 =	vld [tilespmem:s25+$0x44F0]  }
0x11f: {  	v13 =	vadd.f32 v18, v13;
	v18 =	vld [tilespmem:s25+$0x500]  }
0x120: {  	v19 =	vld [tilespmem:s25+$0x4500]  }
0x121: {  	v14 =	vadd.f32 v15, v14;
	v15 =	vld [tilespmem:s25+$0x510]  }
0x122: {  	v20 =	vld [tilespmem:s25+$0x4510]  }
0x123: {  	v16 =	vadd.f32 v17, v16;
	v17 =	vld [tilespmem:s25+$0x520]  }
0x124: {  	v21 =	vld [tilespmem:s25+$0x4520]  }
0x125: {  	v18 =	vadd.f32 v19, v18;
	v19 =	vld [tilespmem:s25+$0x530]  }
0x126: {  	v22 =	vld [tilespmem:s25+$0x4530]  }
0x127: {  	v15 =	vadd.f32 v20, v15;
	v20 =	vld [tilespmem:s25+$0x540]  }
0x128: {  	v23 =	vld [tilespmem:s25+$0x4540]  }
0x129: {  	v17 =	vadd.f32 v21, v17;
	v21 =	vld [tilespmem:s25+$0x550]  }
0x12a: {  	v24 =	vld [tilespmem:s25+$0x4550]  }
0x12b: {  	v19 =	vadd.f32 v22, v19;
	v22 =	vld [tilespmem:s25+$0x560]  }
0x12c: {  	v25 =	vld [tilespmem:s25+$0x4560]  }
0x12d: {  	v20 =	vadd.f32 v23, v20;
	v23 =	vld [tilespmem:s25+$0x570]  }
0x12e: {  	v26 =	vld [tilespmem:s25+$0x4570]  }
0x12f: {  	v21 =	vadd.f32 v24, v21;
	v24 =	vld [tilespmem:s25+$0x580]  }
0x130: {  	v27 =	vld [tilespmem:s25+$0x4580]  }
0x131: {  	v22 =	vadd.f32 v25, v22;
	v25 =	vld [tilespmem:s25+$0x590]  }
0x132: {  	v28 =	vld [tilespmem:s25+$0x4590]  }
0x133: {  	v23 =	vadd.f32 v26, v23;
	v26 =	vld [tilespmem:s25+$0x5A0]  }
0x134: {  	v29 =	vld [tilespmem:s25+$0x45A0]  }
0x135: {  	v24 =	vadd.f32 v27, v24;
	v27 =	vld [tilespmem:s25+$0x5B0]  }
0x136: {  	v30 =	vld [tilespmem:s25+$0x45B0]  }
0x137: {  	v25 =	vadd.f32 v28, v25;
	v28 =	vld [tilespmem:s25+$0x5C0]  }
0x138: {  	v31 =	vld [tilespmem:s25+$0x45C0]  }
0x139: {  	v26 =	vadd.f32 v29, v26;
	v29 =	vld [tilespmem:s25+$0x5D0]  }
0x13a: {  	v32 =	vld [tilespmem:s25+$0x45D0]  }
0x13b: {  	v27 =	vadd.f32 v30, v27;
	v30 =	vld [tilespmem:s25+$0x5E0]  }
0x13c: {  	v33 =	vld [tilespmem:s25+$0x45E0]  }
0x13d: {  	v34 =	vld [tilespmem:s25+$0x8400];
	v28 =	vadd.f32 v31, v28  }
0x13e: {  	v31 =	vld [tilespmem:s25+$0x8410]  }
0x13f: {  	v35 =	vld [tilespmem:s25+$0x8420];
	v29 =	vadd.f32 v32, v29  }
0x140: {  	v32 =	vld [tilespmem:s25+$0x8430]  }
0x141: {  	v36 =	vld [tilespmem:s25+$0x8440];
	v30 =	vadd.f32 v33, v30  }
0x142: {  	v33 =	vadd.f32 v34, v0;
	v0 =	vld [tilespmem:s25+$0x8450]  }
0x143: {  	v31 =	vadd.f32 v31, v1;
	v1 =	vld [tilespmem:s25+$0x8460]  }
0x144: {  	v34 =	vadd.f32 v35, v2;
	v2 =	vld [tilespmem:s25+$0x8470]  }
0x145: {  	v32 =	vadd.f32 v32, v3;
	v3 =	vld [tilespmem:s25+$0x8480]  }
0x146: {  	v35 =	vadd.f32 v36, v4;
	v4 =	vld [tilespmem:s25+$0x8490]  }
0x147: {  	v36 =	vadd.f32 v0, v5;
	v0 =	vld [tilespmem:s25+$0x84A0]  }
0x148: {  	v6 =	vadd.f32 v1, v6;
	v1 =	vld [tilespmem:s25+$0x84B0]  }
0x149: {  	v7 =	vadd.f32 v2, v7;
	v2 =	vld [tilespmem:s25+$0x84C0]  }
0x14a: {  	v8 =	vadd.f32 v3, v8;
	v3 =	vld [tilespmem:s25+$0x84D0]  }
0x14b: {  	v9 =	vadd.f32 v4, v9;
	v4 =	vld [tilespmem:s25+$0x84E0]  }
0x14c: {  	v10 =	vadd.f32 v0, v10;
	v0 =	vld [tilespmem:s25+$0x84F0]  }
0x14d: {  	v11 =	vadd.f32 v1, v11;
	v1 =	vld [tilespmem:s25+$0x8500]  }
0x14e: {  	v12 =	vadd.f32 v2, v12;
	v2 =	vld [tilespmem:s25+$0x8510]  }
0x14f: {  	v13 =	vadd.f32 v3, v13;
	v3 =	vld [tilespmem:s25+$0x8520]  }
0x150: {  	v14 =	vadd.f32 v4, v14;
	v4 =	vld [tilespmem:s25+$0x8530]  }
0x151: {  	v16 =	vadd.f32 v0, v16;
	v0 =	vld [tilespmem:s25+$0x8540]  }
0x152: {  	v18 =	vadd.f32 v1, v18;
	v1 =	vld [tilespmem:s25+$0x8550]  }
0x153: {  	v15 =	vadd.f32 v2, v15;
	v2 =	vld [tilespmem:s25+$0x8560]  }
0x154: {  	v17 =	vadd.f32 v3, v17;
	v3 =	vld [tilespmem:s25+$0x8570]  }
0x155: {  	v19 =	vadd.f32 v4, v19;
	v4 =	vld [tilespmem:s25+$0x8580]  }
0x156: {  	v20 =	vadd.f32 v0, v20;
	v0 =	vld [tilespmem:s25+$0x8590]  }
0x157: {  	v21 =	vadd.f32 v1, v21;
	v1 =	vld [tilespmem:s25+$0x85A0]  }
0x158: {  	v22 =	vadd.f32 v2, v22;
	v2 =	vld [tilespmem:s25+$0x85B0]  }
0x159: {  	v23 =	vadd.f32 v3, v23;
	v37 =	vld [tilespmem:s25+$0x85C0]  }
0x15a: {  	v24 =	vadd.f32 v4, v24;
	v38 =	vld [tilespmem:s25+$0x85D0]  }
0x15b: {  	v5 =	vadd.f32 v0, v25;
	v0 =	vld [tilespmem:s25+$0x85E0]  }
0x15c: {  	v25 =	vld [tilespmem:s25+$0xC400];
	v4 =	vadd.f32 v1, v26  }
0x15d: {  	v26 =	vld [tilespmem:s25+$0xC410];
	v3 =	vadd.f32 v2, v27  }
0x15e: {  	v27 =	vld [tilespmem:s25+$0xC420];
	v2 =	vadd.f32 v37, v28  }
0x15f: {  	v28 =	vld [tilespmem:s25+$0xC430];
	v1 =	vadd.f32 v38, v29  }
0x160: {  	v29 =	vld [tilespmem:s25+$0xC440];
	v0 =	vadd.f32 v0, v30  }
0x161: {  	v25 =	vadd.f32 v25, v33;
	v30 =	vld [tilespmem:s25+$0xC450]  }
0x162: {  	v26 =	vadd.f32 v26, v31;
	v31 =	vld [tilespmem:s25+$0xC460]  }
0x163: {  	[tilespmem:s25+$0x10400] =	vst v25;
	v25 =	vadd.f32 v27, v34;
	v27 =	vld [tilespmem:s25+$0xC470]  }
0x164: {  	[tilespmem:s25+$0x10410] =	vst v26;
	v26 =	vadd.f32 v28, v32;
	v28 =	vld [tilespmem:s25+$0xC480]  }
0x165: {  	[tilespmem:s25+$0x10420] =	vst v25;
	v25 =	vadd.f32 v29, v35;
	v29 =	vld [tilespmem:s25+$0xC490]  }
0x166: {  	[tilespmem:s25+$0x10430] =	vst v26;
	v26 =	vadd.f32 v30, v36;
	v30 =	vld [tilespmem:s25+$0xC4A0]  }
0x167: {  	[tilespmem:s25+$0x10440] =	vst v25;
	v6 =	vadd.f32 v31, v6;
	v25 =	vld [tilespmem:s25+$0xC4B0]  }
0x168: {  	[tilespmem:s25+$0x10450] =	vst v26;
	v7 =	vadd.f32 v27, v7;
	v26 =	vld [tilespmem:s25+$0xC4C0]  }
0x169: {  	[tilespmem:s25+$0x10460] =	vst v6;
	v6 =	vadd.f32 v28, v8;
	v8 =	vld [tilespmem:s25+$0xC4D0]  }
0x16a: {  	[tilespmem:s25+$0x10470] =	vst v7;
	v7 =	vadd.f32 v29, v9;
	v9 =	vld [tilespmem:s25+$0xC4E0]  }
0x16b: {  	[tilespmem:s25+$0x10480] =	vst v6;
	v6 =	vadd.f32 v30, v10;
	v10 =	vld [tilespmem:s25+$0xC4F0]  }
0x16c: {  	[tilespmem:s25+$0x10490] =	vst v7;
	v7 =	vadd.f32 v25, v11;
	v11 =	vld [tilespmem:s25+$0xC500]  }
0x16d: {  	[tilespmem:s25+$0x104A0] =	vst v6;
	v6 =	vadd.f32 v26, v12;
	v12 =	vld [tilespmem:s25+$0xC510]  }
0x16e: {  	[tilespmem:s25+$0x104B0] =	vst v7;
	v7 =	vadd.f32 v8, v13;
	v8 =	vld [tilespmem:s25+$0xC520]  }
0x16f: {  	[tilespmem:s25+$0x104C0] =	vst v6;
	v6 =	vadd.f32 v9, v14;
	v9 =	vld [tilespmem:s25+$0xC530]  }
0x170: {  	[tilespmem:s25+$0x104D0] =	vst v7;
	v7 =	vadd.f32 v10, v16;
	v10 =	vld [tilespmem:s25+$0xC540]  }
0x171: {  	[tilespmem:s25+$0x104E0] =	vst v6;
	v6 =	vadd.f32 v11, v18;
	v11 =	vld [tilespmem:s25+$0xC550]  }
0x172: {  	[tilespmem:s25+$0x104F0] =	vst v7;
	v7 =	vadd.f32 v12, v15;
	v12 =	vld [tilespmem:s25+$0xC560]  }
0x173: {  	[tilespmem:s25+$0x10500] =	vst v6;
	v6 =	vadd.f32 v8, v17;
	v13 =	vld [tilespmem:s25+$0xC570]  }
0x174: {  	[tilespmem:s25+$0x10510] =	vst v7;
	v7 =	vadd.f32 v9, v19;
	v14 =	vld [tilespmem:s25+$0xC580]  }
.Ltmp0:
0x175: {  	[tilespmem:s25+$0x10520] =	vst v6;
	v8 =	vadd.f32 v10, v20;
	v6 =	vld [tilespmem:s25+$0xC590];
	(pc) =	sbr.rel @p0 .LBB2_2-.Ltmp0, $4  }
0x176: {  	[tilespmem:s25+$0x10530] =	vst v7;
	v9 =	vadd.f32 v11, v21;
	v7 =	vld [tilespmem:s25+$0xC5A0]  }
0x177: {  	[tilespmem:s25+$0x10540] =	vst v8;
	v10 =	vadd.f32 v12, v22;
	v8 =	vld [tilespmem:s25+$0xC5B0]  }
0x178: {  	[tilespmem:s25+$0x10550] =	vst v9;
	v12 =	vadd.f32 v13, v23;
	v9 =	vld [tilespmem:s25+$0xC5C0]  }
0x179: {  	s28 =	sadd.s32 $0x800, s28;
	[tilespmem:s25+$0x10560] =	vst v10;
	v11 =	vadd.f32 v14, v24;
	v10 =	vld [tilespmem:s25+$0xC5D0]  }
0x17a: {  	[tilespmem:s25+$0x10570] =	vst v12;
	v5 =	vadd.f32 v6, v5;
	v63 =	vld [tilespmem:s25+$0xC5E0]  }
0x17b: {  	[tilespmem:s25+$0x10580] =	vst v11;
	v4 =	vadd.f32 v7, v4  }
0x17c: {  	[tilespmem:s25+$0x10590] =	vst v5;
	v3 =	vadd.f32 v8, v3  }
0x17d: {  	[tilespmem:s25+$0x105A0] =	vst v4;
	v2 =	vadd.f32 v9, v2  }
0x17e: {  	[tilespmem:s25+$0x105B0] =	vst v3;
	v1 =	vadd.f32 v10, v1  }
0x17f: {  	s24 =	sadd.s32 $0x1, s24;
	[tilespmem:s25+$0x105C0] =	vst v2;
	v0 =	vadd.f32 v63, v0  }
0x180: {  	p0 =	sne.s32 s24, s9;
	[tilespmem:s25+$0x105D0] =	vst v1  }
.Ltmp1:
0x181: {  	[tilespmem:s25+$0x105E0] =	vst v0;
	(pc) =	sbr.rel @p0 .LBB2_1-.Ltmp1, $4  }
0x182: {  	[hbm4b:s8+s2] =	stream.linear.scatter [tilespmem:s23], [sflag:$0x2], $0x4000, $0x38;
	[tilespmem:$0x14400] =	vst v63  }
0x183: {  	_ =	swait.ge [sflag:s10], $0x4000  }
0x184: {  	[sflag:s10] =	ssyncset.done $0x0  }
0x185: {  	[sflag:s10] =	ssyncadd.s32 $0xFFFFC000  }
0x186: {  	_ =	sfence.sel $0x180000  }
0x187: {  	[bflag:$0x0] =	sbarrier.arrive $0xFFFF  }
0x188: {  	p0 =	sne.s32 s0, $0x0;
	_ =	strace $0x90000047  }
0x189: {  	s0 =	sadd.s32 @!p0 $0x100000, s1;
	[bflag:$0x2] =	sbarrier.arrive $0xFFFF  }
0x18a: {  	[sflag:s0] =	ssyncadd.tile.s32 @!p0 $0x1;
	_ =	shalt  }
.Lfunc_end2:
_tile_overlayer_lowered:
.L_overlay_start_2:
0x18b: {  	(tag) =	ssettag $0x2  }
0x18c: {  	s0 =	rddreg [dreg:$0x0];
	s2 =	stileid.u32  }
0x18d: {  	s1 =	rddreg [dreg:$0x1];
	p0 =	sne.s32 s2, $0x0  }
0x18e: {  	s3 =	rddreg [dreg:$0x2];
	[bflag:$0x3] =	sbarrier.arrive $0xFFFF;
	s2 =	simm.s32 @!p0 $0x1C02  }
0x18f: {  	[timem:s3], [sflag:s2] =	dma.local @!p0 [hbm:s0], s1  }
0x190: {  	s0 =	simm.s32 @!p0 $0x2  }
0x191: {  	_ =	swait.ge @!p0 [sflag:s0], s1  }
0x192: {  	s1 =	ssub.s32 @!p0 $0x0, s1;
	[sflag:s0] =	ssyncset.done @!p0 $0x0  }
0x193: {  	[sflag:s0] =	ssyncadd.s32 @!p0 s1  }
0x194: {  	[bflag:$0x3] =	sbarrier.arrive $0xFFFF  }
0x195: {  	_ =	shalt  }

</sc_bundles>
